<compile_context>
chip_gen: v7x
topology: tpu7x:2x2x1
jax: 0.10.2.dev20260603
libtpu: 0.0.44.dev20260713+nightly
codegen_flags: <defaults>
</compile_context>

<pallas_src>
import functools

import jax
import jax.numpy as jnp
from jax import lax
from jax.experimental import pallas as pl
from jax.experimental.pallas import tpu as pltpu
from jax.experimental.pallas import tpu_sc as plsc

N_ROWS = 100000
D_FEAT = 64
NUM_PAIRS = 1024
TO_PICK = 256

PAD_N = 100352
ROWS2D = PAD_N // 128
NC, NS, L = 2, 16, 16
SHARD = PAD_N // NS
NVEC = SHARD // L
ROWS_PER_SUB = NUM_PAIRS // NS


def _desc_key_u32(s):
  u = lax.bitcast_convert_type(s, jnp.uint32)
  sign = u >> jnp.uint32(31)
  flip = jnp.where(sign == jnp.uint32(1), jnp.uint32(0xFFFFFFFF),
                   jnp.uint32(0x80000000))
  return ~(u ^ flip)


def _kth_smallest_u32(v, k):
  def count_lt(cand):
    return jnp.sum(jnp.where(v < cand, jnp.int32(1), jnp.int32(0)))
  def body(i, p):
    sh = (jnp.uint32(30) - 2 * i.astype(jnp.uint32))
    q = lax.shift_left(jnp.uint32(1), sh)
    c1m, c2m, c3m = p | q, p | (q + q), p | (q + q + q)
    n1, n2, n3 = count_lt(c1m), count_lt(c2m), count_lt(c3m)
    return jnp.where(n1 >= k, p,
                     jnp.where(n2 >= k, c1m,
                               jnp.where(n3 >= k, c2m, c3m)))
  p = lax.fori_loop(0, 16, body, jnp.uint32(0))
  c_lt = jnp.sum(jnp.where(v < p, jnp.int32(1), jnp.int32(0)))
  return p, c_lt


def _select_kernel(mask_ref, g1_ref, g2_ref, vs1_ref, vs2_ref, prm_ref):
  mask = mask_ref[...]
  ridx = lax.broadcasted_iota(jnp.int32, (ROWS2D, 128), 0)
  cidx = lax.broadcasted_iota(jnp.int32, (ROWS2D, 128), 1)
  valid = (ridx * 128 + cidx) < N_ROWS

  w1 = 1.0 - mask
  w2 = mask
  s1sum = jnp.sum(jnp.where(valid, w1, 0.0))
  s2sum = jnp.sum(jnp.where(valid, w2, 0.0))
  s1 = jnp.log(w1 / s1sum) - jnp.log(-jnp.log(g1_ref[...]))
  s2 = jnp.log(w2 / s2sum) - jnp.log(-jnp.log(g2_ref[...]))

  pad_key = jnp.uint32(0xFFFFFFFF)
  v1 = jnp.where(valid, _desc_key_u32(s1), pad_key)
  v2 = jnp.where(valid, _desc_key_u32(s2), pad_key)

  t1, c1 = _kth_smallest_u32(v1, NUM_PAIRS)
  t2, c2 = _kth_smallest_u32(v2, NUM_PAIRS)

  sgn = jnp.uint32(0x80000000)
  vs1_ref[...] = lax.bitcast_convert_type(v1 ^ sgn, jnp.int32)
  vs2_ref[...] = lax.bitcast_convert_type(v2 ^ sgn, jnp.int32)

  t1s = lax.bitcast_convert_type(t1 ^ sgn, jnp.int32)
  t2s = lax.bitcast_convert_type(t2 ^ sgn, jnp.int32)
  li = lax.broadcasted_iota(jnp.int32, (1, 128), 1)
  prm = (jnp.where(li == 0, t1s, 0) + jnp.where(li == 1, c1, 0)
         + jnp.where(li == 2, t2s, 0) + jnp.where(li == 3, c2, 0))
  prm_ref[...] = prm


def _run_select(mask2d, g1_2d, g2_2d):
  return pl.pallas_call(
      _select_kernel,
      out_shape=(
          jax.ShapeDtypeStruct((ROWS2D, 128), jnp.int32),
          jax.ShapeDtypeStruct((ROWS2D, 128), jnp.int32),
          jax.ShapeDtypeStruct((1, 128), jnp.int32),
      ),
  )(mask2d, g1_2d, g2_2d)


def _sc_compact_body(vs_hbm, prm_hbm, idxh_hbm, par_hbm,
                     kv, ltbuf, eqbuf, vec16, asmh, aspar, tmp,
                     cnt_sh, lt_sh, eq_sh):
  cid = lax.axis_index("c")
  sid = lax.axis_index("s")
  lane = lax.broadcasted_iota(jnp.int32, (L,), 0)

  pltpu.sync_copy(prm_hbm, vec16)
  pv = vec16[...]

  def lane_at(vec, i):
    return jnp.sum(jnp.where(lane == i, vec, 0))

  thr = jnp.where(cid == 0, lane_at(pv, 0), lane_at(pv, 2))

  base = cid * PAD_N + sid * SHARD
  pltpu.sync_copy(vs_hbm.at[pl.ds(base, SHARD)], kv)
  gbase = sid * SHARD

  def step(j, carry):
    nlt, neq = carry
    k16 = kv[pl.ds(j * L, L)]
    gidx = lane + (gbase + j * L)
    m_lt = k16 < thr
    m_eq = k16 == thr
    one_lt = jnp.where(m_lt, jnp.int32(1), jnp.int32(0))
    one_eq = jnp.where(m_eq, jnp.int32(1), jnp.int32(0))
    plsc.store_scatter(ltbuf, [nlt + plsc.cumsum(one_lt) - 1], gidx, mask=m_lt)
    plsc.store_scatter(eqbuf, [neq + plsc.cumsum(one_eq) - 1], gidx, mask=m_eq)
    return nlt + jnp.sum(one_lt), neq + jnp.sum(one_eq)

  nlt, neq = lax.fori_loop(0, NVEC, step, (jnp.int32(0), jnp.int32(0)))

  pltpu.sync_copy(ltbuf, lt_sh.at[sid])
  pltpu.sync_copy(eqbuf, eq_sh.at[sid])
  cnt = jnp.where(lane == 0, nlt, 0) + jnp.where(lane == 1, neq, 0)
  vec16[...] = cnt
  pltpu.sync_copy(vec16, cnt_sh.at[sid])
  plsc.subcore_barrier()

  @pl.when(sid == 0)
  def _assemble():
    zeros = jnp.zeros((L,), jnp.int32)
    for z in range(NUM_PAIRS // L):
      asmh[pl.ds(z * L, L)] = zeros
      aspar[pl.ds(z * L, L)] = zeros

    def copy_list(r, off, take, sh):
      pltpu.sync_copy(sh.at[r], tmp)
      nv = (take + (L - 1)) >> 4

      def inner(j, off2):
        x = tmp[pl.ds(j * L, L)]
        rem = take - j * L
        m = lane < rem
        pos = [off2 + lane]
        plsc.store_scatter(asmh, pos, lax.shift_right_logical(x, 1), mask=m)
        plsc.store_scatter(aspar, pos, x & 1, mask=m)
        return off2 + jnp.minimum(rem, L)

      return lax.fori_loop(0, nv, inner, off)

    def lt_row(r, off):
      pltpu.sync_copy(cnt_sh.at[r], vec16)
      c = lane_at(vec16[...], 0)
      return copy_list(r, off, c, lt_sh)

    off = lax.fori_loop(0, NS, lt_row, jnp.int32(0))

    def eq_row(r, off):
      pltpu.sync_copy(cnt_sh.at[r], vec16)
      c = lane_at(vec16[...], 1)
      take = jnp.minimum(c, jnp.int32(NUM_PAIRS) - off)
      return copy_list(r, off, take, eq_sh)

    lax.fori_loop(0, NS, eq_row, off)
    pltpu.sync_copy(asmh, idxh_hbm.at[pl.ds(cid * NUM_PAIRS, NUM_PAIRS)])
    pltpu.sync_copy(aspar, par_hbm.at[pl.ds(cid * NUM_PAIRS, NUM_PAIRS)])


def _sc_gather_body(idxh_hbm, fmap_hbm, wide_hbm, idxv, rows, sem):
  cid = lax.axis_index("c")
  sid = lax.axis_index("s")
  base = cid * NUM_PAIRS + sid * ROWS_PER_SUB
  pltpu.sync_copy(idxh_hbm.at[pl.ds(base, ROWS_PER_SUB)], idxv)
  pltpu.async_copy(fmap_hbm.at[idxv], rows, sem).wait()
  pltpu.sync_copy(rows, wide_hbm.at[pl.ds(base, ROWS_PER_SUB)])


def _run_compact(vs_flat, prm16):
  mesh = plsc.VectorSubcoreMesh(core_axis_name="c", subcore_axis_name="s",
                                num_cores=NC, num_subcores=NS)
  fn = pl.kernel(
      _sc_compact_body,
      out_type=(
          jax.ShapeDtypeStruct((2 * NUM_PAIRS,), jnp.int32),
          jax.ShapeDtypeStruct((2 * NUM_PAIRS,), jnp.int32),
      ),
      mesh=mesh,
      scratch_types=[
          pltpu.VMEM((SHARD,), jnp.int32),
          pltpu.VMEM((SHARD,), jnp.int32),
          pltpu.VMEM((SHARD,), jnp.int32),
          pltpu.VMEM((L,), jnp.int32),
          pltpu.VMEM((NUM_PAIRS,), jnp.int32),
          pltpu.VMEM((NUM_PAIRS,), jnp.int32),
          pltpu.VMEM((SHARD,), jnp.int32),
          pltpu.VMEM_SHARED((NS, L), jnp.int32),
          pltpu.VMEM_SHARED((NS, SHARD), jnp.int32),
          pltpu.VMEM_SHARED((NS, SHARD), jnp.int32),
      ],
      compiler_params=pltpu.CompilerParams(needs_layout_passes=False,
                                           use_tc_tiling_on_sc=False),
  )
  return fn(vs_flat, prm16)


def _run_gather(idxh, fmap_pairs):
  mesh = plsc.VectorSubcoreMesh(core_axis_name="c", subcore_axis_name="s",
                                num_cores=NC, num_subcores=NS)
  fn = pl.kernel(
      _sc_gather_body,
      out_type=jax.ShapeDtypeStruct((2 * NUM_PAIRS, 128), jnp.float32),
      mesh=mesh,
      scratch_types=[
          pltpu.VMEM((ROWS_PER_SUB,), jnp.int32),
          pltpu.VMEM((ROWS_PER_SUB, 128), jnp.float32),
          pltpu.SemaphoreType.DMA,
      ],
      compiler_params=pltpu.CompilerParams(needs_layout_passes=False,
                                           use_tc_tiling_on_sc=True),
  )
  return fn(idxh, fmap_pairs)


def _desc_key_nonneg(d):
  return ~(lax.bitcast_convert_type(d, jnp.uint32) & jnp.uint32(0x7FFFFFFF))


def _topk_mean_kernel(w_ref, par_ref, out_ref):
  w1 = w_ref[0]
  w2 = w_ref[1]
  p1 = par_ref[0]
  p2 = par_ref[1]
  c1 = jnp.where(p1 > 0.5, w1[:, D_FEAT:128], w1[:, 0:D_FEAT])
  c2 = jnp.where(p2 > 0.5, w2[:, D_FEAT:128], w2[:, 0:D_FEAT])
  n1 = jnp.sum(c1 * c1, axis=1, keepdims=True)
  n2 = jnp.sum(c2 * c2, axis=1, keepdims=True).reshape(1, NUM_PAIRS)
  g = lax.dot_general(c1, c2, (((1,), (1,)), ((), ())),
                      preferred_element_type=jnp.float32)
  rm = jnp.max(jnp.maximum(n1 + n2 - 2.0 * g, 0.0), axis=1, keepdims=True)
  rm_row = rm.reshape(1, NUM_PAIRS)
  rk = _desc_key_nonneg(rm_row)
  t0, _ = _kth_smallest_u32(rk, TO_PICK)
  sel = rk < t0
  self_ = jnp.where(sel, 1.0, 0.0)
  tri = jnp.where(
      lax.broadcasted_iota(jnp.int32, (NUM_PAIRS, NUM_PAIRS), 0)
      <= lax.broadcasted_iota(jnp.int32, (NUM_PAIRS, NUM_PAIRS), 1),
      1.0, 0.0)
  ranks = lax.dot_general(self_, tri, (((1,), (0,)), ((), ())),
                          preferred_element_type=jnp.float32)
  nsel = jnp.sum(self_)
  oi = lax.broadcasted_iota(jnp.int32, (TO_PICK, NUM_PAIRS), 0).astype(jnp.float32)
  pmat = jnp.where((ranks - 1.0 == oi) & sel, 1.0, 0.0)
  c1s = lax.dot_general(pmat, c1, (((1,), (0,)), ((), ())),
                        preferred_element_type=jnp.float32)
  n1s = lax.dot_general(pmat, n1, (((1,), (0,)), ((), ())),
                        preferred_element_type=jnp.float32)
  gs = lax.dot_general(c1s, c2, (((1,), (1,)), ((), ())),
                       preferred_element_type=jnp.float32)
  rowvalid = lax.broadcasted_iota(jnp.int32, (TO_PICK, 1), 0).astype(jnp.float32) < nsel
  dc = jnp.where(rowvalid, jnp.maximum(n1s + n2 - 2.0 * gs, 0.0), 0.0)
  vc = _desc_key_nonneg(dc)
  pr, clr = _kth_smallest_u32(vc, TO_PICK)
  c0 = jnp.sum(jnp.where(vc < t0, jnp.int32(1), jnp.int32(0)))
  psel = jnp.where(c0 >= TO_PICK, pr, t0)
  cl = jnp.where(c0 >= TO_PICK, clr, c0)
  thr_d2 = lax.bitcast_convert_type(~psel, jnp.float32)
  ssum = jnp.sum(jnp.where(vc < psel, jnp.sqrt(dc), 0.0))
  total = ssum + (jnp.int32(TO_PICK) - cl).astype(jnp.float32) * jnp.sqrt(thr_d2)
  out_ref[...] = jnp.full((1, 1), 0.0) + total * (1.0 / TO_PICK)


def _run_topk_mean(wide, parf):
  return pl.pallas_call(
      _topk_mean_kernel,
      out_shape=jax.ShapeDtypeStruct((1, 1), jnp.float32),
  )(wide.reshape(2, NUM_PAIRS, 128), parf)


def kernel(feature_map, mask):
  n = feature_map.shape[0]
  kc = jax.random.key(42)
  tiny = float(jnp.finfo(jnp.float32).tiny)
  g1 = jax.random.uniform(jax.random.fold_in(kc, 0), (n,), jnp.float32,
                          minval=tiny, maxval=1.0)
  g2 = jax.random.uniform(jax.random.fold_in(kc, 1), (n,), jnp.float32,
                          minval=tiny, maxval=1.0)
  pad = PAD_N - n
  mask2d = jnp.pad(mask, (0, pad)).reshape(ROWS2D, 128)
  g1_2d = jnp.pad(g1, (0, pad)).reshape(ROWS2D, 128)
  g2_2d = jnp.pad(g2, (0, pad)).reshape(ROWS2D, 128)

  vs1, vs2, prm = _run_select(mask2d, g1_2d, g2_2d)
  vs_flat = jnp.concatenate([vs1.reshape(-1), vs2.reshape(-1)])
  prm16 = prm.reshape(-1)[:L]

  fmap_pairs = feature_map.reshape(N_ROWS // 2, 2 * D_FEAT)
  idxh, par = _run_compact(vs_flat, prm16)
  wide = _run_gather(idxh, fmap_pairs)
  parf = par.astype(jnp.float32).reshape(2, NUM_PAIRS, 1)
  out = _run_topk_mean(wide, parf)
  return out[0, 0]

# --- scband reference (transcript-rebuilt; emitter-appended) ---
"""Pipeline reference for scband-hardest-positive-contrastive-loss-88751204204758 (READ-ONLY COPY).

The authoritative reference and input builder live on the scoring server;
editing this copy changes nothing except your own understanding.
"""

import jax, jax.numpy as jnp
import numpy as np

N_ROWS = 100000
D_FEAT = 64
NUM_PAIRS = 1024
TO_PICK = 256

def setup_inputs(seed: int = 0) -> dict:
    key = jax.random.key(seed)
    k1, k2 = jax.random.split(key)
    feature_map = jax.random.normal(k1, (N_ROWS, D_FEAT), dtype=jnp.float32)
    mask = jax.random.uniform(k2, (N_ROWS,), dtype=jnp.float32)
    return {"feature_map": feature_map, "mask": mask}

def reference(feature_map, mask):
    n = feature_map.shape[0]
    # np.random.choice(..., p=(1-mask)/sum(1-mask)) analogue, deterministic via fixed key
    p1 = (1.0 - mask) / jnp.sum(1.0 - mask)
    p2 = mask / jnp.sum(mask)
    kc = jax.random.key(42)
    picked_ids1 = jax.random.choice(jax.random.fold_in(kc, 0), n, (NUM_PAIRS,), replace=False, p=p1)
    picked_ids2 = jax.random.choice(jax.random.fold_in(kc, 1), n, (NUM_PAIRS,), replace=False, p=p2)
    choice1 = jnp.take(feature_map, picked_ids1, axis=0)
    choice2 = jnp.take(feature_map, picked_ids2, axis=0)
    distance = jnp.sqrt(jnp.sum((choice1[:, None, :] - choice2[None, :, :]) ** 2, axis=2))
    flat = distance.reshape(-1)
    # argsort descending, pick hardest TO_PICK, mean
    top_idx = jnp.argsort(-flat)[:TO_PICK]
    return jnp.mean(jnp.take(flat, top_idx))

if __name__ == "__main__":
    import jax
    _d = setup_inputs()
    print(jax.jit(kernel)(*tuple(_d.values())))

</pallas_src>

<mosaic_0001>
#map = affine_map<(d0, d1) -> (0)>
#map1 = affine_map<(d0, d1) -> (0, 0)>
module attributes {stable_mosaic.version = 14 : i64} {
  func.func @_sc_gather_body(%arg0: i32, %arg1: i32, %arg2: memref<2048xi32, #tpu.memory_space<hbm>>, %arg3: memref<50000x128xf32, #tpu.memory_space<hbm>>, %arg4: memref<2048x128xf32, #tpu.memory_space<hbm>>, %arg5: memref<64xi32, #tpu.memory_space<vmem>>, %arg6: memref<64x128xf32, #tpu.memory_space<vmem>>, %arg7: memref<!tpu.dma_semaphore, #tpu.memory_space<semaphore_mem>>) attributes {dimension_semantics = [#tpu.dimension_semantics<core_parallel>, #tpu.dimension_semantics<subcore_parallel>], iteration_bounds = array<i64: 2, 16>, scalar_prefetch = 0 : i64, scratch_operands = 3 : i64, tpu.core_type = #tpu.core_type<sc_vector_subcore>, window_params = [{transform_indices = #map}, {transform_indices = #map1}, {transform_indices = #map1}]} {
    %mul3A = arith.constant 1024 : i32
    %mul3A_0 = arith.muli %arg0, %mul3A : i32
    %mul3A_1 = arith.constant 64 : i32
    %mul3A_2 = arith.muli %arg1, %mul3A_1 : i32
    %add3A = arith.addi %mul3A_0, %mul3A_2 : i32
    "tpu.region"() ({
      %run_scoped3A = tpu.sem_alloc : memref<!tpu.dma_semaphore, #tpu.memory_space<semaphore_mem>>
      %dma_start3A_7 = tpu.memref_slice %arg2[%add3A] : memref<2048xi32, #tpu.memory_space<hbm>> -> memref<64xi32, #tpu.memory_space<hbm>>
      %dma_start3A_8 = tpu.memref_slice %arg2[%add3A] : memref<2048xi32, #tpu.memory_space<hbm>> -> memref<64xi32, #tpu.memory_space<hbm>>
      tpu.enqueue_dma source(%dma_start3A_8 : memref<64xi32, #tpu.memory_space<hbm>>) target(%arg5 : memref<64xi32, #tpu.memory_space<vmem>>) target_semaphore(%run_scoped3A : memref<!tpu.dma_semaphore, #tpu.memory_space<semaphore_mem>>)
      %dma_wait3A_9 = tpu.memref_slice %arg2[%add3A] : memref<2048xi32, #tpu.memory_space<hbm>> -> memref<64xi32, #tpu.memory_space<hbm>>
      %dma_wait3A_10 = tpu.memref_slice %arg2[%add3A] : memref<2048xi32, #tpu.memory_space<hbm>> -> memref<64xi32, #tpu.memory_space<hbm>>
      tpu.wait_dma2 semaphore(%run_scoped3A : memref<!tpu.dma_semaphore, #tpu.memory_space<semaphore_mem>>) src(%dma_wait3A_10 : memref<64xi32, #tpu.memory_space<hbm>>) dst(%arg5 : memref<64xi32, #tpu.memory_space<vmem>>)
      tpu.yield
    }) : () -> ()
    %dma_start3A = arith.constant 0 : i32
    %dma_start3A_3 = arith.constant 0 : i32
    %dma_start3A_4 = tpu.memref_slice %arg3[%dma_start3A, %dma_start3A_3] : memref<50000x128xf32, #tpu.memory_space<hbm>> -> memref<50000x128xf32, #tpu.memory_space<hbm>>
    tpu.enqueue_indirect_dma source(%dma_start3A_4 : memref<50000x128xf32, #tpu.memory_space<hbm>>) target(%arg6 : memref<64x128xf32, #tpu.memory_space<vmem>>) offsets(%arg5 : memref<64xi32, #tpu.memory_space<vmem>>) semaphore(%arg7 : memref<!tpu.dma_semaphore, #tpu.memory_space<semaphore_mem>>)
    %dma_wait3A = arith.constant 0 : i32
    %dma_wait3A_5 = arith.constant 0 : i32
    %dma_wait3A_6 = tpu.memref_slice %arg3[%dma_wait3A, %dma_wait3A_5] : memref<50000x128xf32, #tpu.memory_space<hbm>> -> memref<50000x128xf32, #tpu.memory_space<hbm>>
    tpu.wait_indirect_dma semaphore(%arg7 : memref<!tpu.dma_semaphore, #tpu.memory_space<semaphore_mem>>) src(%dma_wait3A_6 : memref<50000x128xf32, #tpu.memory_space<hbm>>) dst(%arg6 : memref<64x128xf32, #tpu.memory_space<vmem>>)
    "tpu.region"() ({
      %run_scoped3A = tpu.sem_alloc : memref<!tpu.dma_semaphore, #tpu.memory_space<semaphore_mem>>
      %dma_start3A_7 = arith.constant 0 : i32
      %dma_start3A_8 = tpu.memref_slice %arg4[%add3A, %dma_start3A_7] : memref<2048x128xf32, #tpu.memory_space<hbm>> -> memref<64x128xf32, #tpu.memory_space<hbm>>
      %dma_start3A_9 = arith.constant 0 : i32
      %dma_start3A_10 = tpu.memref_slice %arg4[%add3A, %dma_start3A_9] : memref<2048x128xf32, #tpu.memory_space<hbm>> -> memref<64x128xf32, #tpu.memory_space<hbm>>
      tpu.enqueue_dma source(%arg6 : memref<64x128xf32, #tpu.memory_space<vmem>>) target(%dma_start3A_10 : memref<64x128xf32, #tpu.memory_space<hbm>>) target_semaphore(%run_scoped3A : memref<!tpu.dma_semaphore, #tpu.memory_space<semaphore_mem>>)
      %dma_wait3A_11 = arith.constant 0 : i32
      %dma_wait3A_12 = tpu.memref_slice %arg4[%add3A, %dma_wait3A_11] : memref<2048x128xf32, #tpu.memory_space<hbm>> -> memref<64x128xf32, #tpu.memory_space<hbm>>
      %dma_wait3A_13 = arith.constant 0 : i32
      %dma_wait3A_14 = tpu.memref_slice %arg4[%add3A, %dma_wait3A_13] : memref<2048x128xf32, #tpu.memory_space<hbm>> -> memref<64x128xf32, #tpu.memory_space<hbm>>
      tpu.wait_dma2 semaphore(%run_scoped3A : memref<!tpu.dma_semaphore, #tpu.memory_space<semaphore_mem>>) src(%arg6 : memref<64x128xf32, #tpu.memory_space<vmem>>) dst(%dma_wait3A_14 : memref<64x128xf32, #tpu.memory_space<hbm>>)
      tpu.yield
    }) : () -> ()
    return
  }
}

#map = affine_map<(d0, d1) -> (0)>
module attributes {stable_mosaic.version = 14 : i64} {
  func.func @_sc_compact_body(%arg0: i32, %arg1: i32, %arg2: memref<200704xi32, #tpu.memory_space<hbm>>, %arg3: memref<16xi32, #tpu.memory_space<hbm>>, %arg4: memref<2048xi32, #tpu.memory_space<hbm>>, %arg5: memref<2048xi32, #tpu.memory_space<hbm>>, %arg6: memref<6272xi32, #tpu.memory_space<vmem>>, %arg7: memref<6272xi32, #tpu.memory_space<vmem>>, %arg8: memref<6272xi32, #tpu.memory_space<vmem>>, %arg9: memref<16xi32, #tpu.memory_space<vmem>>, %arg10: memref<1024xi32, #tpu.memory_space<vmem>>, %arg11: memref<1024xi32, #tpu.memory_space<vmem>>, %arg12: memref<6272xi32, #tpu.memory_space<vmem>>, %arg13: memref<16x16xi32, #tpu.memory_space<vmem_shared>>, %arg14: memref<16x6272xi32, #tpu.memory_space<vmem_shared>>, %arg15: memref<16x6272xi32, #tpu.memory_space<vmem_shared>>) attributes {dimension_semantics = [#tpu.dimension_semantics<core_parallel>, #tpu.dimension_semantics<subcore_parallel>], iteration_bounds = array<i64: 2, 16>, scalar_prefetch = 0 : i64, scratch_operands = 10 : i64, tpu.core_type = #tpu.core_type<sc_vector_subcore>, window_params = [{transform_indices = #map}, {transform_indices = #map}, {transform_indices = #map}, {transform_indices = #map}]} {
    %iota3A = tpu.iota {dimensions = array<i32: 0>} : vector<16xi32>
    "tpu.region"() ({
      %run_scoped3A = tpu.sem_alloc : memref<!tpu.dma_semaphore, #tpu.memory_space<semaphore_mem>>
      tpu.enqueue_dma source(%arg3 : memref<16xi32, #tpu.memory_space<hbm>>) target(%arg9 : memref<16xi32, #tpu.memory_space<vmem>>) target_semaphore(%run_scoped3A : memref<!tpu.dma_semaphore, #tpu.memory_space<semaphore_mem>>)
      tpu.wait_dma2 semaphore(%run_scoped3A : memref<!tpu.dma_semaphore, #tpu.memory_space<semaphore_mem>>) src(%arg3 : memref<16xi32, #tpu.memory_space<hbm>>) dst(%arg9 : memref<16xi32, #tpu.memory_space<vmem>>)
      tpu.yield
    }) : () -> ()
    %get3A = arith.constant 0 : index
    %get3A_0 = tpu.vector_load %arg9[%get3A] {strides = array<i32>} : memref<16xi32, #tpu.memory_space<vmem>>, vector<16xi32>,
    %eq3A = arith.constant 0 : i32
    %eq3A_1 = arith.cmpi eq, %arg0, %eq3A : i32
    %eq3A_2 = arith.constant 0 : i32
    %eq3A_3 = vector.broadcast %eq3A_2 : i32 to vector<16xi32>
    %eq3A_4 = arith.cmpi eq, %iota3A, %eq3A_3 : vector<16xi32>
    %jit3A = arith.constant 0 : i32
    %broadcast_in_dim3A = vector.broadcast %jit3A : i32 to vector<16xi32>
    %select_n3A = arith.select %eq3A_4, %get3A_0, %broadcast_in_dim3A : vector<16xi1>, vector<16xi32>
    %reduce_sum3A = arith.constant true
    %reduce_sum3A_5 = vector.broadcast %reduce_sum3A : i1 to vector<16xi1>
    %reduce_sum3A_6 = tpu.scan <sum>, %select_n3A masked %reduce_sum3A_5 : vector<16xi32>, vector<16xi1> -> vector<16xi32>
    %reduce_sum3A_7 = vector.extract %reduce_sum3A_6[15] : i32 from vector<16xi32>
    %eq3A_8 = arith.constant 2 : i32
    %eq3A_9 = vector.broadcast %eq3A_8 : i32 to vector<16xi32>
    %eq3A_10 = arith.cmpi eq, %iota3A, %eq3A_9 : vector<16xi32>
    %jit3A_11 = arith.constant 0 : i32
    %broadcast_in_dim3A_12 = vector.broadcast %jit3A_11 : i32 to vector<16xi32>
    %select_n3A_13 = arith.select %eq3A_10, %get3A_0, %broadcast_in_dim3A_12 : vector<16xi1>, vector<16xi32>
    %reduce_sum3A_14 = arith.constant true
    %reduce_sum3A_15 = vector.broadcast %reduce_sum3A_14 : i1 to vector<16xi1>
    %reduce_sum3A_16 = tpu.scan <sum>, %select_n3A_13 masked %reduce_sum3A_15 : vector<16xi32>, vector<16xi1> -> vector<16xi32>
    %reduce_sum3A_17 = vector.extract %reduce_sum3A_16[15] : i32 from vector<16xi32>
    %select_n3A_18 = arith.select %eq3A_1, %reduce_sum3A_7, %reduce_sum3A_17 : i32
    %mul3A = arith.constant 100352 : i32
    %mul3A_19 = arith.muli %arg0, %mul3A : i32
    %mul3A_20 = arith.constant 6272 : i32
    %mul3A_21 = arith.muli %arg1, %mul3A_20 : i32
    %add3A = arith.addi %mul3A_19, %mul3A_21 : i32
    "tpu.region"() ({
      %run_scoped3A = tpu.sem_alloc : memref<!tpu.dma_semaphore, #tpu.memory_space<semaphore_mem>>
      %dma_start3A = tpu.memref_slice %arg2[%add3A] : memref<200704xi32, #tpu.memory_space<hbm>> -> memref<6272xi32, #tpu.memory_space<hbm>>
      %dma_start3A_50 = tpu.memref_slice %arg2[%add3A] : memref<200704xi32, #tpu.memory_space<hbm>> -> memref<6272xi32, #tpu.memory_space<hbm>>
      tpu.enqueue_dma source(%dma_start3A_50 : memref<6272xi32, #tpu.memory_space<hbm>>) target(%arg6 : memref<6272xi32, #tpu.memory_space<vmem>>) target_semaphore(%run_scoped3A : memref<!tpu.dma_semaphore, #tpu.memory_space<semaphore_mem>>)
      %dma_wait3A = tpu.memref_slice %arg2[%add3A] : memref<200704xi32, #tpu.memory_space<hbm>> -> memref<6272xi32, #tpu.memory_space<hbm>>
      %dma_wait3A_51 = tpu.memref_slice %arg2[%add3A] : memref<200704xi32, #tpu.memory_space<hbm>> -> memref<6272xi32, #tpu.memory_space<hbm>>
      tpu.wait_dma2 semaphore(%run_scoped3A : memref<!tpu.dma_semaphore, #tpu.memory_space<semaphore_mem>>) src(%dma_wait3A_51 : memref<6272xi32, #tpu.memory_space<hbm>>) dst(%arg6 : memref<6272xi32, #tpu.memory_space<vmem>>)
      tpu.yield
    }) : () -> ()
    %mul3A_22 = arith.constant 6272 : i32
    %mul3A_23 = arith.muli %arg1, %mul3A_22 : i32
    %scan3A = arith.constant 0 : i32
    %scan3A_24 = arith.constant 0 : i32
    %scan3A_25 = arith.constant 0 : i32
    %scan3A_26 = arith.constant 392 : i32
    %scan3A_27 = arith.addi %scan3A_25, %scan3A_26 : i32
    %scan3A_28 = arith.constant 1 : i32
    %scan3A_29:2 = scf.for %scan3A_50 = %scan3A_25 to %scan3A_27 step %scan3A_28 iter_args(%scan3A_51 = %scan3A, %scan3A_52 = %scan3A_24) -> (i32, i32)  : i32 {
      %mul3A_53 = arith.constant 16 : i32
      %mul3A_54 = arith.muli %scan3A_50, %mul3A_53 : i32
      %get3A_55 = arith.index_cast %mul3A_54 : i32 to index
      %get3A_56 = tpu.vector_load %arg6[%get3A_55] {strides = array<i32>} : memref<6272xi32, #tpu.memory_space<vmem>>, vector<16xi32>,
      %mul3A_57 = arith.constant 16 : i32
      %mul3A_58 = arith.muli %scan3A_50, %mul3A_57 : i32
      %add3A_59 = arith.addi %mul3A_23, %mul3A_58 : i32
      %add3A_60 = vector.broadcast %add3A_59 : i32 to vector<16xi32>
      %add3A_61 = arith.addi %iota3A, %add3A_60 : vector<16xi32>
      %lt3A = vector.broadcast %select_n3A_18 : i32 to vector<16xi32>
      %lt3A_62 = arith.cmpi slt, %get3A_56, %lt3A : vector<16xi32>
      %eq3A_63 = vector.broadcast %select_n3A_18 : i32 to vector<16xi32>
      %eq3A_64 = arith.cmpi eq, %get3A_56, %eq3A_63 : vector<16xi32>
      %jit3A_65 = arith.constant 1 : i32
      %jit3A_66 = arith.constant 0 : i32
      %broadcast_in_dim3A_67 = vector.broadcast %jit3A_65 : i32 to vector<16xi32>
      %broadcast_in_dim3A_68 = vector.broadcast %jit3A_66 : i32 to vector<16xi32>
      %select_n3A_69 = arith.select %lt3A_62, %broadcast_in_dim3A_67, %broadcast_in_dim3A_68 : vector<16xi1>, vector<16xi32>
      %jit3A_70 = arith.constant 1 : i32
      %jit3A_71 = arith.constant 0 : i32
      %broadcast_in_dim3A_72 = vector.broadcast %jit3A_70 : i32 to vector<16xi32>
      %broadcast_in_dim3A_73 = vector.broadcast %jit3A_71 : i32 to vector<16xi32>
      %select_n3A_74 = arith.select %eq3A_64, %broadcast_in_dim3A_72, %broadcast_in_dim3A_73 : vector<16xi1>, vector<16xi32>
      %broadcast_in_dim3A_75 = arith.constant true
      %broadcast_in_dim3A_76 = vector.broadcast %broadcast_in_dim3A_75 : i1 to vector<16xi1>
      %masked_cumsum3A = tpu.scan <sum>, %select_n3A_69 masked %broadcast_in_dim3A_76 : vector<16xi32>, vector<16xi1> -> vector<16xi32>
      %add3A_77 = vector.broadcast %scan3A_51 : i32 to vector<16xi32>
      %add3A_78 = arith.addi %add3A_77, %masked_cumsum3A : vector<16xi32>
      %sub3A = arith.constant 1 : i32
      %sub3A_79 = vector.broadcast %sub3A : i32 to vector<16xi32>
      %sub3A_80 = arith.subi %add3A_78, %sub3A_79 : vector<16xi32>
      tpu.vector_store_idx %arg7[%sub3A_80], %add3A_61 masked %lt3A_62 : memref<6272xi32, #tpu.memory_space<vmem>>[vector<16xi32>], vector<16xi32>, vector<16xi1>
      %broadcast_in_dim3A_81 = arith.constant true
      %broadcast_in_dim3A_82 = vector.broadcast %broadcast_in_dim3A_81 : i1 to vector<16xi1>
      %masked_cumsum3A_83 = tpu.scan <sum>, %select_n3A_74 masked %broadcast_in_dim3A_82 : vector<16xi32>, vector<16xi1> -> vector<16xi32>
      %add3A_84 = vector.broadcast %scan3A_52 : i32 to vector<16xi32>
      %add3A_85 = arith.addi %add3A_84, %masked_cumsum3A_83 : vector<16xi32>
      %sub3A_86 = arith.constant 1 : i32
      %sub3A_87 = vector.broadcast %sub3A_86 : i32 to vector<16xi32>
      %sub3A_88 = arith.subi %add3A_85, %sub3A_87 : vector<16xi32>
      tpu.vector_store_idx %arg8[%sub3A_88], %add3A_61 masked %eq3A_64 : memref<6272xi32, #tpu.memory_space<vmem>>[vector<16xi32>], vector<16xi32>, vector<16xi1>
      %reduce_sum3A_89 = arith.constant true
      %reduce_sum3A_90 = vector.broadcast %reduce_sum3A_89 : i1 to vector<16xi1>
      %reduce_sum3A_91 = tpu.scan <sum>, %select_n3A_69 masked %reduce_sum3A_90 : vector<16xi32>, vector<16xi1> -> vector<16xi32>
      %reduce_sum3A_92 = vector.extract %reduce_sum3A_91[15] : i32 from vector<16xi32>
      %add3A_93 = arith.addi %scan3A_51, %reduce_sum3A_92 : i32
      %reduce_sum3A_94 = arith.constant true
      %reduce_sum3A_95 = vector.broadcast %reduce_sum3A_94 : i1 to vector<16xi1>
      %reduce_sum3A_96 = tpu.scan <sum>, %select_n3A_74 masked %reduce_sum3A_95 : vector<16xi32>, vector<16xi1> -> vector<16xi32>
      %reduce_sum3A_97 = vector.extract %reduce_sum3A_96[15] : i32 from vector<16xi32>
      %add3A_98 = arith.addi %scan3A_52, %reduce_sum3A_97 : i32
      scf.yield %add3A_93, %add3A_98 : i32, i32
    }
    %scan3A_30 = arith.constant 392 : i32
    "tpu.region"() ({
      %run_scoped3A = tpu.sem_alloc : memref<!tpu.dma_semaphore, #tpu.memory_space<semaphore_mem>>
      %dma_start3A = arith.constant 0 : i32
      %dma_start3A_50 = tpu.memref_slice %arg14[%arg1, %dma_start3A] : memref<16x6272xi32, #tpu.memory_space<vmem_shared>> -> memref<1x6272xi32, #tpu.memory_space<vmem_shared>>
      %dma_start3A_51 = tpu.memref_squeeze %dma_start3A_50 : memref<1x6272xi32, #tpu.memory_space<vmem_shared>> -> memref<6272xi32, #tpu.memory_space<vmem_shared>>
      %dma_start3A_52 = arith.constant 0 : i32
      %dma_start3A_53 = tpu.memref_slice %arg14[%arg1, %dma_start3A_52] : memref<16x6272xi32, #tpu.memory_space<vmem_shared>> -> memref<1x6272xi32, #tpu.memory_space<vmem_shared>>
      %dma_start3A_54 = tpu.memref_squeeze %dma_start3A_53 : memref<1x6272xi32, #tpu.memory_space<vmem_shared>> -> memref<6272xi32, #tpu.memory_space<vmem_shared>>
      tpu.enqueue_dma source(%arg7 : memref<6272xi32, #tpu.memory_space<vmem>>) target(%dma_start3A_54 : memref<6272xi32, #tpu.memory_space<vmem_shared>>) target_semaphore(%run_scoped3A : memref<!tpu.dma_semaphore, #tpu.memory_space<semaphore_mem>>)
      %dma_wait3A = arith.constant 0 : i32
      %dma_wait3A_55 = tpu.memref_slice %arg14[%arg1, %dma_wait3A] : memref<16x6272xi32, #tpu.memory_space<vmem_shared>> -> memref<1x6272xi32, #tpu.memory_space<vmem_shared>>
      %dma_wait3A_56 = tpu.memref_squeeze %dma_wait3A_55 : memref<1x6272xi32, #tpu.memory_space<vmem_shared>> -> memref<6272xi32, #tpu.memory_space<vmem_shared>>
      %dma_wait3A_57 = arith.constant 0 : i32
      %dma_wait3A_58 = tpu.memref_slice %arg14[%arg1, %dma_wait3A_57] : memref<16x6272xi32, #tpu.memory_space<vmem_shared>> -> memref<1x6272xi32, #tpu.memory_space<vmem_shared>>
      %dma_wait3A_59 = tpu.memref_squeeze %dma_wait3A_58 : memref<1x6272xi32, #tpu.memory_space<vmem_shared>> -> memref<6272xi32, #tpu.memory_space<vmem_shared>>
      tpu.wait_dma2 semaphore(%run_scoped3A : memref<!tpu.dma_semaphore, #tpu.memory_space<semaphore_mem>>) src(%arg7 : memref<6272xi32, #tpu.memory_space<vmem>>) dst(%dma_wait3A_59 : memref<6272xi32, #tpu.memory_space<vmem_shared>>)
      tpu.yield
    }) : () -> ()
    "tpu.region"() ({
      %run_scoped3A = tpu.sem_alloc : memref<!tpu.dma_semaphore, #tpu.memory_space<semaphore_mem>>
      %dma_start3A = arith.constant 0 : i32
      %dma_start3A_50 = tpu.memref_slice %arg15[%arg1, %dma_start3A] : memref<16x6272xi32, #tpu.memory_space<vmem_shared>> -> memref<1x6272xi32, #tpu.memory_space<vmem_shared>>
      %dma_start3A_51 = tpu.memref_squeeze %dma_start3A_50 : memref<1x6272xi32, #tpu.memory_space<vmem_shared>> -> memref<6272xi32, #tpu.memory_space<vmem_shared>>
      %dma_start3A_52 = arith.constant 0 : i32
      %dma_start3A_53 = tpu.memref_slice %arg15[%arg1, %dma_start3A_52] : memref<16x6272xi32, #tpu.memory_space<vmem_shared>> -> memref<1x6272xi32, #tpu.memory_space<vmem_shared>>
      %dma_start3A_54 = tpu.memref_squeeze %dma_start3A_53 : memref<1x6272xi32, #tpu.memory_space<vmem_shared>> -> memref<6272xi32, #tpu.memory_space<vmem_shared>>
      tpu.enqueue_dma source(%arg8 : memref<6272xi32, #tpu.memory_space<vmem>>) target(%dma_start3A_54 : memref<6272xi32, #tpu.memory_space<vmem_shared>>) target_semaphore(%run_scoped3A : memref<!tpu.dma_semaphore, #tpu.memory_space<semaphore_mem>>)
      %dma_wait3A = arith.constant 0 : i32
      %dma_wait3A_55 = tpu.memref_slice %arg15[%arg1, %dma_wait3A] : memref<16x6272xi32, #tpu.memory_space<vmem_shared>> -> memref<1x6272xi32, #tpu.memory_space<vmem_shared>>
      %dma_wait3A_56 = tpu.memref_squeeze %dma_wait3A_55 : memref<1x6272xi32, #tpu.memory_space<vmem_shared>> -> memref<6272xi32, #tpu.memory_space<vmem_shared>>
      %dma_wait3A_57 = arith.constant 0 : i32
      %dma_wait3A_58 = tpu.memref_slice %arg15[%arg1, %dma_wait3A_57] : memref<16x6272xi32, #tpu.memory_space<vmem_shared>> -> memref<1x6272xi32, #tpu.memory_space<vmem_shared>>
      %dma_wait3A_59 = tpu.memref_squeeze %dma_wait3A_58 : memref<1x6272xi32, #tpu.memory_space<vmem_shared>> -> memref<6272xi32, #tpu.memory_space<vmem_shared>>
      tpu.wait_dma2 semaphore(%run_scoped3A : memref<!tpu.dma_semaphore, #tpu.memory_space<semaphore_mem>>) src(%arg8 : memref<6272xi32, #tpu.memory_space<vmem>>) dst(%dma_wait3A_59 : memref<6272xi32, #tpu.memory_space<vmem_shared>>)
      tpu.yield
    }) : () -> ()
    %eq3A_31 = arith.constant 0 : i32
    %eq3A_32 = vector.broadcast %eq3A_31 : i32 to vector<16xi32>
    %eq3A_33 = arith.cmpi eq, %iota3A, %eq3A_32 : vector<16xi32>
    %jit3A_34 = arith.constant 0 : i32
    %broadcast_in_dim3A_35 = vector.broadcast %scan3A_29#0 : i32 to vector<16xi32>
    %broadcast_in_dim3A_36 = vector.broadcast %jit3A_34 : i32 to vector<16xi32>
    %select_n3A_37 = arith.select %eq3A_33, %broadcast_in_dim3A_35, %broadcast_in_dim3A_36 : vector<16xi1>, vector<16xi32>
    %eq3A_38 = arith.constant 1 : i32
    %eq3A_39 = vector.broadcast %eq3A_38 : i32 to vector<16xi32>
    %eq3A_40 = arith.cmpi eq, %iota3A, %eq3A_39 : vector<16xi32>
    %jit3A_41 = arith.constant 0 : i32
    %broadcast_in_dim3A_42 = vector.broadcast %scan3A_29#1 : i32 to vector<16xi32>
    %broadcast_in_dim3A_43 = vector.broadcast %jit3A_41 : i32 to vector<16xi32>
    %select_n3A_44 = arith.select %eq3A_40, %broadcast_in_dim3A_42, %broadcast_in_dim3A_43 : vector<16xi1>, vector<16xi32>
    %add3A_45 = arith.addi %select_n3A_37, %select_n3A_44 : vector<16xi32>
    %swap3A = arith.constant 0 : index
    %swap3A_46 = tpu.vector_load %arg9[%swap3A] {strides = array<i32>} : memref<16xi32, #tpu.memory_space<vmem>>, vector<16xi32>,
    tpu.vector_store %arg9[%swap3A], %add3A_45 {strides = array<i32>} : memref<16xi32, #tpu.memory_space<vmem>>, vector<16xi32>,
    "tpu.region"() ({
      %run_scoped3A = tpu.sem_alloc : memref<!tpu.dma_semaphore, #tpu.memory_space<semaphore_mem>>
      %dma_start3A = arith.constant 0 : i32
      %dma_start3A_50 = tpu.memref_slice %arg13[%arg1, %dma_start3A] : memref<16x16xi32, #tpu.memory_space<vmem_shared>> -> memref<1x16xi32, #tpu.memory_space<vmem_shared>>
      %dma_start3A_51 = tpu.memref_squeeze %dma_start3A_50 : memref<1x16xi32, #tpu.memory_space<vmem_shared>> -> memref<16xi32, #tpu.memory_space<vmem_shared>>
      %dma_start3A_52 = arith.constant 0 : i32
      %dma_start3A_53 = tpu.memref_slice %arg13[%arg1, %dma_start3A_52] : memref<16x16xi32, #tpu.memory_space<vmem_shared>> -> memref<1x16xi32, #tpu.memory_space<vmem_shared>>
      %dma_start3A_54 = tpu.memref_squeeze %dma_start3A_53 : memref<1x16xi32, #tpu.memory_space<vmem_shared>> -> memref<16xi32, #tpu.memory_space<vmem_shared>>
      tpu.enqueue_dma source(%arg9 : memref<16xi32, #tpu.memory_space<vmem>>) target(%dma_start3A_54 : memref<16xi32, #tpu.memory_space<vmem_shared>>) target_semaphore(%run_scoped3A : memref<!tpu.dma_semaphore, #tpu.memory_space<semaphore_mem>>)
      %dma_wait3A = arith.constant 0 : i32
      %dma_wait3A_55 = tpu.memref_slice %arg13[%arg1, %dma_wait3A] : memref<16x16xi32, #tpu.memory_space<vmem_shared>> -> memref<1x16xi32, #tpu.memory_space<vmem_shared>>
      %dma_wait3A_56 = tpu.memref_squeeze %dma_wait3A_55 : memref<1x16xi32, #tpu.memory_space<vmem_shared>> -> memref<16xi32, #tpu.memory_space<vmem_shared>>
      %dma_wait3A_57 = arith.constant 0 : i32
      %dma_wait3A_58 = tpu.memref_slice %arg13[%arg1, %dma_wait3A_57] : memref<16x16xi32, #tpu.memory_space<vmem_shared>> -> memref<1x16xi32, #tpu.memory_space<vmem_shared>>
      %dma_wait3A_59 = tpu.memref_squeeze %dma_wait3A_58 : memref<1x16xi32, #tpu.memory_space<vmem_shared>> -> memref<16xi32, #tpu.memory_space<vmem_shared>>
      tpu.wait_dma2 semaphore(%run_scoped3A : memref<!tpu.dma_semaphore, #tpu.memory_space<semaphore_mem>>) src(%arg9 : memref<16xi32, #tpu.memory_space<vmem>>) dst(%dma_wait3A_59 : memref<16xi32, #tpu.memory_space<vmem_shared>>)
      tpu.yield
    }) : () -> ()
    %barrier3A = arith.constant 0 : index
    tpu.barrier barrier_id(%barrier3A)
    %eq3A_47 = arith.constant 0 : i32
    %eq3A_48 = arith.cmpi eq, %arg1, %eq3A_47 : i32
    %convert_element_type3A = arith.extui %eq3A_48 : i1 to i32
    %cond3A = arith.constant 0 : i32
    %cond3A_49 = arith.cmpi ne, %convert_element_type3A, %cond3A : i32
    scf.if %cond3A_49 {
      %broadcast_in_dim3A_50 = arith.constant 0 : i32
      %broadcast_in_dim3A_51 = vector.broadcast %broadcast_in_dim3A_50 : i32 to vector<16xi32>
      %swap3A_52 = arith.constant 0 : index
      %swap3A_53 = tpu.vector_load %arg10[%swap3A_52] {strides = array<i32>} : memref<1024xi32, #tpu.memory_space<vmem>>, vector<16xi32>,
      tpu.vector_store %arg10[%swap3A_52], %broadcast_in_dim3A_51 {strides = array<i32>} : memref<1024xi32, #tpu.memory_space<vmem>>, vector<16xi32>,
      %swap3A_54 = arith.constant 0 : index
      %swap3A_55 = tpu.vector_load %arg11[%swap3A_54] {strides = array<i32>} : memref<1024xi32, #tpu.memory_space<vmem>>, vector<16xi32>,
      tpu.vector_store %arg11[%swap3A_54], %broadcast_in_dim3A_51 {strides = array<i32>} : memref<1024xi32, #tpu.memory_space<vmem>>, vector<16xi32>,
      %swap3A_56 = arith.constant 16 : index
      %swap3A_57 = tpu.vector_load %arg10[%swap3A_56] {strides = array<i32>} : memref<1024xi32, #tpu.memory_space<vmem>>, vector<16xi32>,
      tpu.vector_store %arg10[%swap3A_56], %broadcast_in_dim3A_51 {strides = array<i32>} : memref<1024xi32, #tpu.memory_space<vmem>>, vector<16xi32>,
      %swap3A_58 = arith.constant 16 : index
      %swap3A_59 = tpu.vector_load %arg11[%swap3A_58] {strides = array<i32>} : memref<1024xi32, #tpu.memory_space<vmem>>, vector<16xi32>,
      tpu.vector_store %arg11[%swap3A_58], %broadcast_in_dim3A_51 {strides = array<i32>} : memref<1024xi32, #tpu.memory_space<vmem>>, vector<16xi32>,
      %swap3A_60 = arith.constant 32 : index
      %swap3A_61 = tpu.vector_load %arg10[%swap3A_60] {strides = array<i32>} : memref<1024xi32, #tpu.memory_space<vmem>>, vector<16xi32>,
      tpu.vector_store %arg10[%swap3A_60], %broadcast_in_dim3A_51 {strides = array<i32>} : memref<1024xi32, #tpu.memory_space<vmem>>, vector<16xi32>,
      %swap3A_62 = arith.constant 32 : index
      %swap3A_63 = tpu.vector_load %arg11[%swap3A_62] {strides = array<i32>} : memref<1024xi32, #tpu.memory_space<vmem>>, vector<16xi32>,
      tpu.vector_store %arg11[%swap3A_62], %broadcast_in_dim3A_51 {strides = array<i32>} : memref<1024xi32, #tpu.memory_space<vmem>>, vector<16xi32>,
      %swap3A_64 = arith.constant 48 : index
      %swap3A_65 = tpu.vector_load %arg10[%swap3A_64] {strides = array<i32>} : memref<1024xi32, #tpu.memory_space<vmem>>, vector<16xi32>,
      tpu.vector_store %arg10[%swap3A_64], %broadcast_in_dim3A_51 {strides = array<i32>} : memref<1024xi32, #tpu.memory_space<vmem>>, vector<16xi32>,
      %swap3A_66 = arith.constant 48 : index
      %swap3A_67 = tpu.vector_load %arg11[%swap3A_66] {strides = array<i32>} : memref<1024xi32, #tpu.memory_space<vmem>>, vector<16xi32>,
      tpu.vector_store %arg11[%swap3A_66], %broadcast_in_dim3A_51 {strides = array<i32>} : memref<1024xi32, #tpu.memory_space<vmem>>, vector<16xi32>,
      %swap3A_68 = arith.constant 64 : index
      %swap3A_69 = tpu.vector_load %arg10[%swap3A_68] {strides = array<i32>} : memref<1024xi32, #tpu.memory_space<vmem>>, vector<16xi32>,
      tpu.vector_store %arg10[%swap3A_68], %broadcast_in_dim3A_51 {strides = array<i32>} : memref<1024xi32, #tpu.memory_space<vmem>>, vector<16xi32>,
      %swap3A_70 = arith.constant 64 : index
      %swap3A_71 = tpu.vector_load %arg11[%swap3A_70] {strides = array<i32>} : memref<1024xi32, #tpu.memory_space<vmem>>, vector<16xi32>,
      tpu.vector_store %arg11[%swap3A_70], %broadcast_in_dim3A_51 {strides = array<i32>} : memref<1024xi32, #tpu.memory_space<vmem>>, vector<16xi32>,
      %swap3A_72 = arith.constant 80 : index
      %swap3A_73 = tpu.vector_load %arg10[%swap3A_72] {strides = array<i32>} : memref<1024xi32, #tpu.memory_space<vmem>>, vector<16xi32>,
      tpu.vector_store %arg10[%swap3A_72], %broadcast_in_dim3A_51 {strides = array<i32>} : memref<1024xi32, #tpu.memory_space<vmem>>, vector<16xi32>,
      %swap3A_74 = arith.constant 80 : index
      %swap3A_75 = tpu.vector_load %arg11[%swap3A_74] {strides = array<i32>} : memref<1024xi32, #tpu.memory_space<vmem>>, vector<16xi32>,
      tpu.vector_store %arg11[%swap3A_74], %broadcast_in_dim3A_51 {strides = array<i32>} : memref<1024xi32, #tpu.memory_space<vmem>>, vector<16xi32>,
      %swap3A_76 = arith.constant 96 : index
      %swap3A_77 = tpu.vector_load %arg10[%swap3A_76] {strides = array<i32>} : memref<1024xi32, #tpu.memory_space<vmem>>, vector<16xi32>,
      tpu.vector_store %arg10[%swap3A_76], %broadcast_in_dim3A_51 {strides = array<i32>} : memref<1024xi32, #tpu.memory_space<vmem>>, vector<16xi32>,
      %swap3A_78 = arith.constant 96 : index
      %swap3A_79 = tpu.vector_load %arg11[%swap3A_78] {strides = array<i32>} : memref<1024xi32, #tpu.memory_space<vmem>>, vector<16xi32>,
      tpu.vector_store %arg11[%swap3A_78], %broadcast_in_dim3A_51 {strides = array<i32>} : memref<1024xi32, #tpu.memory_space<vmem>>, vector<16xi32>,
      %swap3A_80 = arith.constant 112 : index
      %swap3A_81 = tpu.vector_load %arg10[%swap3A_80] {strides = array<i32>} : memref<1024xi32, #tpu.memory_space<vmem>>, vector<16xi32>,
      tpu.vector_store %arg10[%swap3A_80], %broadcast_in_dim3A_51 {strides = array<i32>} : memref<1024xi32, #tpu.memory_space<vmem>>, vector<16xi32>,
      %swap3A_82 = arith.constant 112 : index
      %swap3A_83 = tpu.vector_load %arg11[%swap3A_82] {strides = array<i32>} : memref<1024xi32, #tpu.memory_space<vmem>>, vector<16xi32>,
      tpu.vector_store %arg11[%swap3A_82], %broadcast_in_dim3A_51 {strides = array<i32>} : memref<1024xi32, #tpu.memory_space<vmem>>, vector<16xi32>,
      %swap3A_84 = arith.constant 128 : index
      %swap3A_85 = tpu.vector_load %arg10[%swap3A_84] {strides = array<i32>} : memref<1024xi32, #tpu.memory_space<vmem>>, vector<16xi32>,
      tpu.vector_store %arg10[%swap3A_84], %broadcast_in_dim3A_51 {strides = array<i32>} : memref<1024xi32, #tpu.memory_space<vmem>>, vector<16xi32>,
      %swap3A_86 = arith.constant 128 : index
      %swap3A_87 = tpu.vector_load %arg11[%swap3A_86] {strides = array<i32>} : memref<1024xi32, #tpu.memory_space<vmem>>, vector<16xi32>,
      tpu.vector_store %arg11[%swap3A_86], %broadcast_in_dim3A_51 {strides = array<i32>} : memref<1024xi32, #tpu.memory_space<vmem>>, vector<16xi32>,
      %swap3A_88 = arith.constant 144 : index
      %swap3A_89 = tpu.vector_load %arg10[%swap3A_88] {strides = array<i32>} : memref<1024xi32, #tpu.memory_space<vmem>>, vector<16xi32>,
      tpu.vector_store %arg10[%swap3A_88], %broadcast_in_dim3A_51 {strides = array<i32>} : memref<1024xi32, #tpu.memory_space<vmem>>, vector<16xi32>,
      %swap3A_90 = arith.constant 144 : index
      %swap3A_91 = tpu.vector_load %arg11[%swap3A_90] {strides = array<i32>} : memref<1024xi32, #tpu.memory_space<vmem>>, vector<16xi32>,
      tpu.vector_store %arg11[%swap3A_90], %broadcast_in_dim3A_51 {strides = array<i32>} : memref<1024xi32, #tpu.memory_space<vmem>>, vector<16xi32>,
      %swap3A_92 = arith.constant 160 : index
      %swap3A_93 = tpu.vector_load %arg10[%swap3A_92] {strides = array<i32>} : memref<1024xi32, #tpu.memory_space<vmem>>, vector<16xi32>,
      tpu.vector_store %arg10[%swap3A_92], %broadcast_in_dim3A_51 {strides = array<i32>} : memref<1024xi32, #tpu.memory_space<vmem>>, vector<16xi32>,
      %swap3A_94 = arith.constant 160 : index
      %swap3A_95 = tpu.vector_load %arg11[%swap3A_94] {strides = array<i32>} : memref<1024xi32, #tpu.memory_space<vmem>>, vector<16xi32>,
      tpu.vector_store %arg11[%swap3A_94], %broadcast_in_dim3A_51 {strides = array<i32>} : memref<1024xi32, #tpu.memory_space<vmem>>, vector<16xi32>,
      %swap3A_96 = arith.constant 176 : index
      %swap3A_97 = tpu.vector_load %arg10[%swap3A_96] {strides = array<i32>} : memref<1024xi32, #tpu.memory_space<vmem>>, vector<16xi32>,
      tpu.vector_store %arg10[%swap3A_96], %broadcast_in_dim3A_51 {strides = array<i32>} : memref<1024xi32, #tpu.memory_space<vmem>>, vector<16xi32>,
      %swap3A_98 = arith.constant 176 : index
      %swap3A_99 = tpu.vector_load %arg11[%swap3A_98] {strides = array<i32>} : memref<1024xi32, #tpu.memory_space<vmem>>, vector<16xi32>,
      tpu.vector_store %arg11[%swap3A_98], %broadcast_in_dim3A_51 {strides = array<i32>} : memref<1024xi32, #tpu.memory_space<vmem>>, vector<16xi32>,
      %swap3A_100 = arith.constant 192 : index
      %swap3A_101 = tpu.vector_load %arg10[%swap3A_100] {strides = array<i32>} : memref<1024xi32, #tpu.memory_space<vmem>>, vector<16xi32>,
      tpu.vector_store %arg10[%swap3A_100], %broadcast_in_dim3A_51 {strides = array<i32>} : memref<1024xi32, #tpu.memory_space<vmem>>, vector<16xi32>,
      %swap3A_102 = arith.constant 192 : index
      %swap3A_103 = tpu.vector_load %arg11[%swap3A_102] {strides = array<i32>} : memref<1024xi32, #tpu.memory_space<vmem>>, vector<16xi32>,
      tpu.vector_store %arg11[%swap3A_102], %broadcast_in_dim3A_51 {strides = array<i32>} : memref<1024xi32, #tpu.memory_space<vmem>>, vector<16xi32>,
      %swap3A_104 = arith.constant 208 : index
      %swap3A_105 = tpu.vector_load %arg10[%swap3A_104] {strides = array<i32>} : memref<1024xi32, #tpu.memory_space<vmem>>, vector<16xi32>,
      tpu.vector_store %arg10[%swap3A_104], %broadcast_in_dim3A_51 {strides = array<i32>} : memref<1024xi32, #tpu.memory_space<vmem>>, vector<16xi32>,
      %swap3A_106 = arith.constant 208 : index
      %swap3A_107 = tpu.vector_load %arg11[%swap3A_106] {strides = array<i32>} : memref<1024xi32, #tpu.memory_space<vmem>>, vector<16xi32>,
      tpu.vector_store %arg11[%swap3A_106], %broadcast_in_dim3A_51 {strides = array<i32>} : memref<1024xi32, #tpu.memory_space<vmem>>, vector<16xi32>,
      %swap3A_108 = arith.constant 224 : index
      %swap3A_109 = tpu.vector_load %arg10[%swap3A_108] {strides = array<i32>} : memref<1024xi32, #tpu.memory_space<vmem>>, vector<16xi32>,
      tpu.vector_store %arg10[%swap3A_108], %broadcast_in_dim3A_51 {strides = array<i32>} : memref<1024xi32, #tpu.memory_space<vmem>>, vector<16xi32>,
      %swap3A_110 = arith.constant 224 : index
      %swap3A_111 = tpu.vector_load %arg11[%swap3A_110] {strides = array<i32>} : memref<1024xi32, #tpu.memory_space<vmem>>, vector<16xi32>,
      tpu.vector_store %arg11[%swap3A_110], %broadcast_in_dim3A_51 {strides = array<i32>} : memref<1024xi32, #tpu.memory_space<vmem>>, vector<16xi32>,
      %swap3A_112 = arith.constant 240 : index
      %swap3A_113 = tpu.vector_load %arg10[%swap3A_112] {strides = array<i32>} : memref<1024xi32, #tpu.memory_space<vmem>>, vector<16xi32>,
      tpu.vector_store %arg10[%swap3A_112], %broadcast_in_dim3A_51 {strides = array<i32>} : memref<1024xi32, #tpu.memory_space<vmem>>, vector<16xi32>,
      %swap3A_114 = arith.constant 240 : index
      %swap3A_115 = tpu.vector_load %arg11[%swap3A_114] {strides = array<i32>} : memref<1024xi32, #tpu.memory_space<vmem>>, vector<16xi32>,
      tpu.vector_store %arg11[%swap3A_114], %broadcast_in_dim3A_51 {strides = array<i32>} : memref<1024xi32, #tpu.memory_space<vmem>>, vector<16xi32>,
      %swap3A_116 = arith.constant 256 : index
      %swap3A_117 = tpu.vector_load %arg10[%swap3A_116] {strides = array<i32>} : memref<1024xi32, #tpu.memory_space<vmem>>, vector<16xi32>,
      tpu.vector_store %arg10[%swap3A_116], %broadcast_in_dim3A_51 {strides = array<i32>} : memref<1024xi32, #tpu.memory_space<vmem>>, vector<16xi32>,
      %swap3A_118 = arith.constant 256 : index
      %swap3A_119 = tpu.vector_load %arg11[%swap3A_118] {strides = array<i32>} : memref<1024xi32, #tpu.memory_space<vmem>>, vector<16xi32>,
      tpu.vector_store %arg11[%swap3A_118], %broadcast_in_dim3A_51 {strides = array<i32>} : memref<1024xi32, #tpu.memory_space<vmem>>, vector<16xi32>,
      %swap3A_120 = arith.constant 272 : index
      %swap3A_121 = tpu.vector_load %arg10[%swap3A_120] {strides = array<i32>} : memref<1024xi32, #tpu.memory_space<vmem>>, vector<16xi32>,
      tpu.vector_store %arg10[%swap3A_120], %broadcast_in_dim3A_51 {strides = array<i32>} : memref<1024xi32, #tpu.memory_space<vmem>>, vector<16xi32>,
      %swap3A_122 = arith.constant 272 : index
      %swap3A_123 = tpu.vector_load %arg11[%swap3A_122] {strides = array<i32>} : memref<1024xi32, #tpu.memory_space<vmem>>, vector<16xi32>,
      tpu.vector_store %arg11[%swap3A_122], %broadcast_in_dim3A_51 {strides = array<i32>} : memref<1024xi32, #tpu.memory_space<vmem>>, vector<16xi32>,
      %swap3A_124 = arith.constant 288 : index
      %swap3A_125 = tpu.vector_load %arg10[%swap3A_124] {strides = array<i32>} : memref<1024xi32, #tpu.memory_space<vmem>>, vector<16xi32>,
      tpu.vector_store %arg10[%swap3A_124], %broadcast_in_dim3A_51 {strides = array<i32>} : memref<1024xi32, #tpu.memory_space<vmem>>, vector<16xi32>,
      %swap3A_126 = arith.constant 288 : index
      %swap3A_127 = tpu.vector_load %arg11[%swap3A_126] {strides = array<i32>} : memref<1024xi32, #tpu.memory_space<vmem>>, vector<16xi32>,
      tpu.vector_store %arg11[%swap3A_126], %broadcast_in_dim3A_51 {strides = array<i32>} : memref<1024xi32, #tpu.memory_space<vmem>>, vector<16xi32>,
      %swap3A_128 = arith.constant 304 : index
      %swap3A_129 = tpu.vector_load %arg10[%swap3A_128] {strides = array<i32>} : memref<1024xi32, #tpu.memory_space<vmem>>, vector<16xi32>,
      tpu.vector_store %arg10[%swap3A_128], %broadcast_in_dim3A_51 {strides = array<i32>} : memref<1024xi32, #tpu.memory_space<vmem>>, vector<16xi32>,
      %swap3A_130 = arith.constant 304 : index
      %swap3A_131 = tpu.vector_load %arg11[%swap3A_130] {strides = array<i32>} : memref<1024xi32, #tpu.memory_space<vmem>>, vector<16xi32>,
      tpu.vector_store %arg11[%swap3A_130], %broadcast_in_dim3A_51 {strides = array<i32>} : memref<1024xi32, #tpu.memory_space<vmem>>, vector<16xi32>,
      %swap3A_132 = arith.constant 320 : index
      %swap3A_133 = tpu.vector_load %arg10[%swap3A_132] {strides = array<i32>} : memref<1024xi32, #tpu.memory_space<vmem>>, vector<16xi32>,
      tpu.vector_store %arg10[%swap3A_132], %broadcast_in_dim3A_51 {strides = array<i32>} : memref<1024xi32, #tpu.memory_space<vmem>>, vector<16xi32>,
      %swap3A_134 = arith.constant 320 : index
      %swap3A_135 = tpu.vector_load %arg11[%swap3A_134] {strides = array<i32>} : memref<1024xi32, #tpu.memory_space<vmem>>, vector<16xi32>,
      tpu.vector_store %arg11[%swap3A_134], %broadcast_in_dim3A_51 {strides = array<i32>} : memref<1024xi32, #tpu.memory_space<vmem>>, vector<16xi32>,
      %swap3A_136 = arith.constant 336 : index
      %swap3A_137 = tpu.vector_load %arg10[%swap3A_136] {strides = array<i32>} : memref<1024xi32, #tpu.memory_space<vmem>>, vector<16xi32>,
      tpu.vector_store %arg10[%swap3A_136], %broadcast_in_dim3A_51 {strides = array<i32>} : memref<1024xi32, #tpu.memory_space<vmem>>, vector<16xi32>,
      %swap3A_138 = arith.constant 336 : index
      %swap3A_139 = tpu.vector_load %arg11[%swap3A_138] {strides = array<i32>} : memref<1024xi32, #tpu.memory_space<vmem>>, vector<16xi32>,
      tpu.vector_store %arg11[%swap3A_138], %broadcast_in_dim3A_51 {strides = array<i32>} : memref<1024xi32, #tpu.memory_space<vmem>>, vector<16xi32>,
      %swap3A_140 = arith.constant 352 : index
      %swap3A_141 = tpu.vector_load %arg10[%swap3A_140] {strides = array<i32>} : memref<1024xi32, #tpu.memory_space<vmem>>, vector<16xi32>,
      tpu.vector_store %arg10[%swap3A_140], %broadcast_in_dim3A_51 {strides = array<i32>} : memref<1024xi32, #tpu.memory_space<vmem>>, vector<16xi32>,
      %swap3A_142 = arith.constant 352 : index
      %swap3A_143 = tpu.vector_load %arg11[%swap3A_142] {strides = array<i32>} : memref<1024xi32, #tpu.memory_space<vmem>>, vector<16xi32>,
      tpu.vector_store %arg11[%swap3A_142], %broadcast_in_dim3A_51 {strides = array<i32>} : memref<1024xi32, #tpu.memory_space<vmem>>, vector<16xi32>,
      %swap3A_144 = arith.constant 368 : index
      %swap3A_145 = tpu.vector_load %arg10[%swap3A_144] {strides = array<i32>} : memref<1024xi32, #tpu.memory_space<vmem>>, vector<16xi32>,
      tpu.vector_store %arg10[%swap3A_144], %broadcast_in_dim3A_51 {strides = array<i32>} : memref<1024xi32, #tpu.memory_space<vmem>>, vector<16xi32>,
      %swap3A_146 = arith.constant 368 : index
      %swap3A_147 = tpu.vector_load %arg11[%swap3A_146] {strides = array<i32>} : memref<1024xi32, #tpu.memory_space<vmem>>, vector<16xi32>,
      tpu.vector_store %arg11[%swap3A_146], %broadcast_in_dim3A_51 {strides = array<i32>} : memref<1024xi32, #tpu.memory_space<vmem>>, vector<16xi32>,
      %swap3A_148 = arith.constant 384 : index
      %swap3A_149 = tpu.vector_load %arg10[%swap3A_148] {strides = array<i32>} : memref<1024xi32, #tpu.memory_space<vmem>>, vector<16xi32>,
      tpu.vector_store %arg10[%swap3A_148], %broadcast_in_dim3A_51 {strides = array<i32>} : memref<1024xi32, #tpu.memory_space<vmem>>, vector<16xi32>,
      %swap3A_150 = arith.constant 384 : index
      %swap3A_151 = tpu.vector_load %arg11[%swap3A_150] {strides = array<i32>} : memref<1024xi32, #tpu.memory_space<vmem>>, vector<16xi32>,
      tpu.vector_store %arg11[%swap3A_150], %broadcast_in_dim3A_51 {strides = array<i32>} : memref<1024xi32, #tpu.memory_space<vmem>>, vector<16xi32>,
      %swap3A_152 = arith.constant 400 : index
      %swap3A_153 = tpu.vector_load %arg10[%swap3A_152] {strides = array<i32>} : memref<1024xi32, #tpu.memory_space<vmem>>, vector<16xi32>,
      tpu.vector_store %arg10[%swap3A_152], %broadcast_in_dim3A_51 {strides = array<i32>} : memref<1024xi32, #tpu.memory_space<vmem>>, vector<16xi32>,
      %swap3A_154 = arith.constant 400 : index
      %swap3A_155 = tpu.vector_load %arg11[%swap3A_154] {strides = array<i32>} : memref<1024xi32, #tpu.memory_space<vmem>>, vector<16xi32>,
      tpu.vector_store %arg11[%swap3A_154], %broadcast_in_dim3A_51 {strides = array<i32>} : memref<1024xi32, #tpu.memory_space<vmem>>, vector<16xi32>,
      %swap3A_156 = arith.constant 416 : index
      %swap3A_157 = tpu.vector_load %arg10[%swap3A_156] {strides = array<i32>} : memref<1024xi32, #tpu.memory_space<vmem>>, vector<16xi32>,
      tpu.vector_store %arg10[%swap3A_156], %broadcast_in_dim3A_51 {strides = array<i32>} : memref<1024xi32, #tpu.memory_space<vmem>>, vector<16xi32>,
      %swap3A_158 = arith.constant 416 : index
      %swap3A_159 = tpu.vector_load %arg11[%swap3A_158] {strides = array<i32>} : memref<1024xi32, #tpu.memory_space<vmem>>, vector<16xi32>,
      tpu.vector_store %arg11[%swap3A_158], %broadcast_in_dim3A_51 {strides = array<i32>} : memref<1024xi32, #tpu.memory_space<vmem>>, vector<16xi32>,
      %swap3A_160 = arith.constant 432 : index
      %swap3A_161 = tpu.vector_load %arg10[%swap3A_160] {strides = array<i32>} : memref<1024xi32, #tpu.memory_space<vmem>>, vector<16xi32>,
      tpu.vector_store %arg10[%swap3A_160], %broadcast_in_dim3A_51 {strides = array<i32>} : memref<1024xi32, #tpu.memory_space<vmem>>, vector<16xi32>,
      %swap3A_162 = arith.constant 432 : index
      %swap3A_163 = tpu.vector_load %arg11[%swap3A_162] {strides = array<i32>} : memref<1024xi32, #tpu.memory_space<vmem>>, vector<16xi32>,
      tpu.vector_store %arg11[%swap3A_162], %broadcast_in_dim3A_51 {strides = array<i32>} : memref<1024xi32, #tpu.memory_space<vmem>>, vector<16xi32>,
      %swap3A_164 = arith.constant 448 : index
      %swap3A_165 = tpu.vector_load %arg10[%swap3A_164] {strides = array<i32>} : memref<1024xi32, #tpu.memory_space<vmem>>, vector<16xi32>,
      tpu.vector_store %arg10[%swap3A_164], %broadcast_in_dim3A_51 {strides = array<i32>} : memref<1024xi32, #tpu.memory_space<vmem>>, vector<16xi32>,
      %swap3A_166 = arith.constant 448 : index
      %swap3A_167 = tpu.vector_load %arg11[%swap3A_166] {strides = array<i32>} : memref<1024xi32, #tpu.memory_space<vmem>>, vector<16xi32>,
      tpu.vector_store %arg11[%swap3A_166], %broadcast_in_dim3A_51 {strides = array<i32>} : memref<1024xi32, #tpu.memory_space<vmem>>, vector<16xi32>,
      %swap3A_168 = arith.constant 464 : index
      %swap3A_169 = tpu.vector_load %arg10[%swap3A_168] {strides = array<i32>} : memref<1024xi32, #tpu.memory_space<vmem>>, vector<16xi32>,
      tpu.vector_store %arg10[%swap3A_168], %broadcast_in_dim3A_51 {strides = array<i32>} : memref<1024xi32, #tpu.memory_space<vmem>>, vector<16xi32>,
      %swap3A_170 = arith.constant 464 : index
      %swap3A_171 = tpu.vector_load %arg11[%swap3A_170] {strides = array<i32>} : memref<1024xi32, #tpu.memory_space<vmem>>, vector<16xi32>,
      tpu.vector_store %arg11[%swap3A_170], %broadcast_in_dim3A_51 {strides = array<i32>} : memref<1024xi32, #tpu.memory_space<vmem>>, vector<16xi32>,
      %swap3A_172 = arith.constant 480 : index
      %swap3A_173 = tpu.vector_load %arg10[%swap3A_172] {strides = array<i32>} : memref<1024xi32, #tpu.memory_space<vmem>>, vector<16xi32>,
      tpu.vector_store %arg10[%swap3A_172], %broadcast_in_dim3A_51 {strides = array<i32>} : memref<1024xi32, #tpu.memory_space<vmem>>, vector<16xi32>,
      %swap3A_174 = arith.constant 480 : index
      %swap3A_175 = tpu.vector_load %arg11[%swap3A_174] {strides = array<i32>} : memref<1024xi32, #tpu.memory_space<vmem>>, vector<16xi32>,
      tpu.vector_store %arg11[%swap3A_174], %broadcast_in_dim3A_51 {strides = array<i32>} : memref<1024xi32, #tpu.memory_space<vmem>>, vector<16xi32>,
      %swap3A_176 = arith.constant 496 : index
      %swap3A_177 = tpu.vector_load %arg10[%swap3A_176] {strides = array<i32>} : memref<1024xi32, #tpu.memory_space<vmem>>, vector<16xi32>,
      tpu.vector_store %arg10[%swap3A_176], %broadcast_in_dim3A_51 {strides = array<i32>} : memref<1024xi32, #tpu.memory_space<vmem>>, vector<16xi32>,
      %swap3A_178 = arith.constant 496 : index
      %swap3A_179 = tpu.vector_load %arg11[%swap3A_178] {strides = array<i32>} : memref<1024xi32, #tpu.memory_space<vmem>>, vector<16xi32>,
      tpu.vector_store %arg11[%swap3A_178], %broadcast_in_dim3A_51 {strides = array<i32>} : memref<1024xi32, #tpu.memory_space<vmem>>, vector<16xi32>,
      %swap3A_180 = arith.constant 512 : index
      %swap3A_181 = tpu.vector_load %arg10[%swap3A_180] {strides = array<i32>} : memref<1024xi32, #tpu.memory_space<vmem>>, vector<16xi32>,
      tpu.vector_store %arg10[%swap3A_180], %broadcast_in_dim3A_51 {strides = array<i32>} : memref<1024xi32, #tpu.memory_space<vmem>>, vector<16xi32>,
      %swap3A_182 = arith.constant 512 : index
      %swap3A_183 = tpu.vector_load %arg11[%swap3A_182] {strides = array<i32>} : memref<1024xi32, #tpu.memory_space<vmem>>, vector<16xi32>,
      tpu.vector_store %arg11[%swap3A_182], %broadcast_in_dim3A_51 {strides = array<i32>} : memref<1024xi32, #tpu.memory_space<vmem>>, vector<16xi32>,
      %swap3A_184 = arith.constant 528 : index
      %swap3A_185 = tpu.vector_load %arg10[%swap3A_184] {strides = array<i32>} : memref<1024xi32, #tpu.memory_space<vmem>>, vector<16xi32>,
      tpu.vector_store %arg10[%swap3A_184], %broadcast_in_dim3A_51 {strides = array<i32>} : memref<1024xi32, #tpu.memory_space<vmem>>, vector<16xi32>,
      %swap3A_186 = arith.constant 528 : index
      %swap3A_187 = tpu.vector_load %arg11[%swap3A_186] {strides = array<i32>} : memref<1024xi32, #tpu.memory_space<vmem>>, vector<16xi32>,
      tpu.vector_store %arg11[%swap3A_186], %broadcast_in_dim3A_51 {strides = array<i32>} : memref<1024xi32, #tpu.memory_space<vmem>>, vector<16xi32>,
      %swap3A_188 = arith.constant 544 : index
      %swap3A_189 = tpu.vector_load %arg10[%swap3A_188] {strides = array<i32>} : memref<1024xi32, #tpu.memory_space<vmem>>, vector<16xi32>,
      tpu.vector_store %arg10[%swap3A_188], %broadcast_in_dim3A_51 {strides = array<i32>} : memref<1024xi32, #tpu.memory_space<vmem>>, vector<16xi32>,
      %swap3A_190 = arith.constant 544 : index
      %swap3A_191 = tpu.vector_load %arg11[%swap3A_190] {strides = array<i32>} : memref<1024xi32, #tpu.memory_space<vmem>>, vector<16xi32>,
      tpu.vector_store %arg11[%swap3A_190], %broadcast_in_dim3A_51 {strides = array<i32>} : memref<1024xi32, #tpu.memory_space<vmem>>, vector<16xi32>,
      %swap3A_192 = arith.constant 560 : index
      %swap3A_193 = tpu.vector_load %arg10[%swap3A_192] {strides = array<i32>} : memref<1024xi32, #tpu.memory_space<vmem>>, vector<16xi32>,
      tpu.vector_store %arg10[%swap3A_192], %broadcast_in_dim3A_51 {strides = array<i32>} : memref<1024xi32, #tpu.memory_space<vmem>>, vector<16xi32>,
      %swap3A_194 = arith.constant 560 : index
      %swap3A_195 = tpu.vector_load %arg11[%swap3A_194] {strides = array<i32>} : memref<1024xi32, #tpu.memory_space<vmem>>, vector<16xi32>,
      tpu.vector_store %arg11[%swap3A_194], %broadcast_in_dim3A_51 {strides = array<i32>} : memref<1024xi32, #tpu.memory_space<vmem>>, vector<16xi32>,
      %swap3A_196 = arith.constant 576 : index
      %swap3A_197 = tpu.vector_load %arg10[%swap3A_196] {strides = array<i32>} : memref<1024xi32, #tpu.memory_space<vmem>>, vector<16xi32>,
      tpu.vector_store %arg10[%swap3A_196], %broadcast_in_dim3A_51 {strides = array<i32>} : memref<1024xi32, #tpu.memory_space<vmem>>, vector<16xi32>,
      %swap3A_198 = arith.constant 576 : index
      %swap3A_199 = tpu.vector_load %arg11[%swap3A_198] {strides = array<i32>} : memref<1024xi32, #tpu.memory_space<vmem>>, vector<16xi32>,
      tpu.vector_store %arg11[%swap3A_198], %broadcast_in_dim3A_51 {strides = array<i32>} : memref<1024xi32, #tpu.memory_space<vmem>>, vector<16xi32>,
      %swap3A_200 = arith.constant 592 : index
      %swap3A_201 = tpu.vector_load %arg10[%swap3A_200] {strides = array<i32>} : memref<1024xi32, #tpu.memory_space<vmem>>, vector<16xi32>,
      tpu.vector_store %arg10[%swap3A_200], %broadcast_in_dim3A_51 {strides = array<i32>} : memref<1024xi32, #tpu.memory_space<vmem>>, vector<16xi32>,
      %swap3A_202 = arith.constant 592 : index
      %swap3A_203 = tpu.vector_load %arg11[%swap3A_202] {strides = array<i32>} : memref<1024xi32, #tpu.memory_space<vmem>>, vector<16xi32>,
      tpu.vector_store %arg11[%swap3A_202], %broadcast_in_dim3A_51 {strides = array<i32>} : memref<1024xi32, #tpu.memory_space<vmem>>, vector<16xi32>,
      %swap3A_204 = arith.constant 608 : index
      %swap3A_205 = tpu.vector_load %arg10[%swap3A_204] {strides = array<i32>} : memref<1024xi32, #tpu.memory_space<vmem>>, vector<16xi32>,
      tpu.vector_store %arg10[%swap3A_204], %broadcast_in_dim3A_51 {strides = array<i32>} : memref<1024xi32, #tpu.memory_space<vmem>>, vector<16xi32>,
      %swap3A_206 = arith.constant 608 : index
      %swap3A_207 = tpu.vector_load %arg11[%swap3A_206] {strides = array<i32>} : memref<1024xi32, #tpu.memory_space<vmem>>, vector<16xi32>,
      tpu.vector_store %arg11[%swap3A_206], %broadcast_in_dim3A_51 {strides = array<i32>} : memref<1024xi32, #tpu.memory_space<vmem>>, vector<16xi32>,
      %swap3A_208 = arith.constant 624 : index
      %swap3A_209 = tpu.vector_load %arg10[%swap3A_208] {strides = array<i32>} : memref<1024xi32, #tpu.memory_space<vmem>>, vector<16xi32>,
      tpu.vector_store %arg10[%swap3A_208], %broadcast_in_dim3A_51 {strides = array<i32>} : memref<1024xi32, #tpu.memory_space<vmem>>, vector<16xi32>,
      %swap3A_210 = arith.constant 624 : index
      %swap3A_211 = tpu.vector_load %arg11[%swap3A_210] {strides = array<i32>} : memref<1024xi32, #tpu.memory_space<vmem>>, vector<16xi32>,
      tpu.vector_store %arg11[%swap3A_210], %broadcast_in_dim3A_51 {strides = array<i32>} : memref<1024xi32, #tpu.memory_space<vmem>>, vector<16xi32>,
      %swap3A_212 = arith.constant 640 : index
      %swap3A_213 = tpu.vector_load %arg10[%swap3A_212] {strides = array<i32>} : memref<1024xi32, #tpu.memory_space<vmem>>, vector<16xi32>,
      tpu.vector_store %arg10[%swap3A_212], %broadcast_in_dim3A_51 {strides = array<i32>} : memref<1024xi32, #tpu.memory_space<vmem>>, vector<16xi32>,
      %swap3A_214 = arith.constant 640 : index
      %swap3A_215 = tpu.vector_load %arg11[%swap3A_214] {strides = array<i32>} : memref<1024xi32, #tpu.memory_space<vmem>>, vector<16xi32>,
      tpu.vector_store %arg11[%swap3A_214], %broadcast_in_dim3A_51 {strides = array<i32>} : memref<1024xi32, #tpu.memory_space<vmem>>, vector<16xi32>,
      %swap3A_216 = arith.constant 656 : index
      %swap3A_217 = tpu.vector_load %arg10[%swap3A_216] {strides = array<i32>} : memref<1024xi32, #tpu.memory_space<vmem>>, vector<16xi32>,
      tpu.vector_store %arg10[%swap3A_216], %broadcast_in_dim3A_51 {strides = array<i32>} : memref<1024xi32, #tpu.memory_space<vmem>>, vector<16xi32>,
      %swap3A_218 = arith.constant 656 : index
      %swap3A_219 = tpu.vector_load %arg11[%swap3A_218] {strides = array<i32>} : memref<1024xi32, #tpu.memory_space<vmem>>, vector<16xi32>,
      tpu.vector_store %arg11[%swap3A_218], %broadcast_in_dim3A_51 {strides = array<i32>} : memref<1024xi32, #tpu.memory_space<vmem>>, vector<16xi32>,
      %swap3A_220 = arith.constant 672 : index
      %swap3A_221 = tpu.vector_load %arg10[%swap3A_220] {strides = array<i32>} : memref<1024xi32, #tpu.memory_space<vmem>>, vector<16xi32>,
      tpu.vector_store %arg10[%swap3A_220], %broadcast_in_dim3A_51 {strides = array<i32>} : memref<1024xi32, #tpu.memory_space<vmem>>, vector<16xi32>,
      %swap3A_222 = arith.constant 672 : index
      %swap3A_223 = tpu.vector_load %arg11[%swap3A_222] {strides = array<i32>} : memref<1024xi32, #tpu.memory_space<vmem>>, vector<16xi32>,
      tpu.vector_store %arg11[%swap3A_222], %broadcast_in_dim3A_51 {strides = array<i32>} : memref<1024xi32, #tpu.memory_space<vmem>>, vector<16xi32>,
      %swap3A_224 = arith.constant 688 : index
      %swap3A_225 = tpu.vector_load %arg10[%swap3A_224] {strides = array<i32>} : memref<1024xi32, #tpu.memory_space<vmem>>, vector<16xi32>,
      tpu.vector_store %arg10[%swap3A_224], %broadcast_in_dim3A_51 {strides = array<i32>} : memref<1024xi32, #tpu.memory_space<vmem>>, vector<16xi32>,
      %swap3A_226 = arith.constant 688 : index
      %swap3A_227 = tpu.vector_load %arg11[%swap3A_226] {strides = array<i32>} : memref<1024xi32, #tpu.memory_space<vmem>>, vector<16xi32>,
      tpu.vector_store %arg11[%swap3A_226], %broadcast_in_dim3A_51 {strides = array<i32>} : memref<1024xi32, #tpu.memory_space<vmem>>, vector<16xi32>,
      %swap3A_228 = arith.constant 704 : index
      %swap3A_229 = tpu.vector_load %arg10[%swap3A_228] {strides = array<i32>} : memref<1024xi32, #tpu.memory_space<vmem>>, vector<16xi32>,
      tpu.vector_store %arg10[%swap3A_228], %broadcast_in_dim3A_51 {strides = array<i32>} : memref<1024xi32, #tpu.memory_space<vmem>>, vector<16xi32>,
      %swap3A_230 = arith.constant 704 : index
      %swap3A_231 = tpu.vector_load %arg11[%swap3A_230] {strides = array<i32>} : memref<1024xi32, #tpu.memory_space<vmem>>, vector<16xi32>,
      tpu.vector_store %arg11[%swap3A_230], %broadcast_in_dim3A_51 {strides = array<i32>} : memref<1024xi32, #tpu.memory_space<vmem>>, vector<16xi32>,
      %swap3A_232 = arith.constant 720 : index
      %swap3A_233 = tpu.vector_load %arg10[%swap3A_232] {strides = array<i32>} : memref<1024xi32, #tpu.memory_space<vmem>>, vector<16xi32>,
      tpu.vector_store %arg10[%swap3A_232], %broadcast_in_dim3A_51 {strides = array<i32>} : memref<1024xi32, #tpu.memory_space<vmem>>, vector<16xi32>,
      %swap3A_234 = arith.constant 720 : index
      %swap3A_235 = tpu.vector_load %arg11[%swap3A_234] {strides = array<i32>} : memref<1024xi32, #tpu.memory_space<vmem>>, vector<16xi32>,
      tpu.vector_store %arg11[%swap3A_234], %broadcast_in_dim3A_51 {strides = array<i32>} : memref<1024xi32, #tpu.memory_space<vmem>>, vector<16xi32>,
      %swap3A_236 = arith.constant 736 : index
      %swap3A_237 = tpu.vector_load %arg10[%swap3A_236] {strides = array<i32>} : memref<1024xi32, #tpu.memory_space<vmem>>, vector<16xi32>,
      tpu.vector_store %arg10[%swap3A_236], %broadcast_in_dim3A_51 {strides = array<i32>} : memref<1024xi32, #tpu.memory_space<vmem>>, vector<16xi32>,
      %swap3A_238 = arith.constant 736 : index
      %swap3A_239 = tpu.vector_load %arg11[%swap3A_238] {strides = array<i32>} : memref<1024xi32, #tpu.memory_space<vmem>>, vector<16xi32>,
      tpu.vector_store %arg11[%swap3A_238], %broadcast_in_dim3A_51 {strides = array<i32>} : memref<1024xi32, #tpu.memory_space<vmem>>, vector<16xi32>,
      %swap3A_240 = arith.constant 752 : index
      %swap3A_241 = tpu.vector_load %arg10[%swap3A_240] {strides = array<i32>} : memref<1024xi32, #tpu.memory_space<vmem>>, vector<16xi32>,
      tpu.vector_store %arg10[%swap3A_240], %broadcast_in_dim3A_51 {strides = array<i32>} : memref<1024xi32, #tpu.memory_space<vmem>>, vector<16xi32>,
      %swap3A_242 = arith.constant 752 : index
      %swap3A_243 = tpu.vector_load %arg11[%swap3A_242] {strides = array<i32>} : memref<1024xi32, #tpu.memory_space<vmem>>, vector<16xi32>,
      tpu.vector_store %arg11[%swap3A_242], %broadcast_in_dim3A_51 {strides = array<i32>} : memref<1024xi32, #tpu.memory_space<vmem>>, vector<16xi32>,
      %swap3A_244 = arith.constant 768 : index
      %swap3A_245 = tpu.vector_load %arg10[%swap3A_244] {strides = array<i32>} : memref<1024xi32, #tpu.memory_space<vmem>>, vector<16xi32>,
      tpu.vector_store %arg10[%swap3A_244], %broadcast_in_dim3A_51 {strides = array<i32>} : memref<1024xi32, #tpu.memory_space<vmem>>, vector<16xi32>,
      %swap3A_246 = arith.constant 768 : index
      %swap3A_247 = tpu.vector_load %arg11[%swap3A_246] {strides = array<i32>} : memref<1024xi32, #tpu.memory_space<vmem>>, vector<16xi32>,
      tpu.vector_store %arg11[%swap3A_246], %broadcast_in_dim3A_51 {strides = array<i32>} : memref<1024xi32, #tpu.memory_space<vmem>>, vector<16xi32>,
      %swap3A_248 = arith.constant 784 : index
      %swap3A_249 = tpu.vector_load %arg10[%swap3A_248] {strides = array<i32>} : memref<1024xi32, #tpu.memory_space<vmem>>, vector<16xi32>,
      tpu.vector_store %arg10[%swap3A_248], %broadcast_in_dim3A_51 {strides = array<i32>} : memref<1024xi32, #tpu.memory_space<vmem>>, vector<16xi32>,
      %swap3A_250 = arith.constant 784 : index
      %swap3A_251 = tpu.vector_load %arg11[%swap3A_250] {strides = array<i32>} : memref<1024xi32, #tpu.memory_space<vmem>>, vector<16xi32>,
      tpu.vector_store %arg11[%swap3A_250], %broadcast_in_dim3A_51 {strides = array<i32>} : memref<1024xi32, #tpu.memory_space<vmem>>, vector<16xi32>,
      %swap3A_252 = arith.constant 800 : index
      %swap3A_253 = tpu.vector_load %arg10[%swap3A_252] {strides = array<i32>} : memref<1024xi32, #tpu.memory_space<vmem>>, vector<16xi32>,
      tpu.vector_store %arg10[%swap3A_252], %broadcast_in_dim3A_51 {strides = array<i32>} : memref<1024xi32, #tpu.memory_space<vmem>>, vector<16xi32>,
      %swap3A_254 = arith.constant 800 : index
      %swap3A_255 = tpu.vector_load %arg11[%swap3A_254] {strides = array<i32>} : memref<1024xi32, #tpu.memory_space<vmem>>, vector<16xi32>,
      tpu.vector_store %arg11[%swap3A_254], %broadcast_in_dim3A_51 {strides = array<i32>} : memref<1024xi32, #tpu.memory_space<vmem>>, vector<16xi32>,
      %swap3A_256 = arith.constant 816 : index
      %swap3A_257 = tpu.vector_load %arg10[%swap3A_256] {strides = array<i32>} : memref<1024xi32, #tpu.memory_space<vmem>>, vector<16xi32>,
      tpu.vector_store %arg10[%swap3A_256], %broadcast_in_dim3A_51 {strides = array<i32>} : memref<1024xi32, #tpu.memory_space<vmem>>, vector<16xi32>,
      %swap3A_258 = arith.constant 816 : index
      %swap3A_259 = tpu.vector_load %arg11[%swap3A_258] {strides = array<i32>} : memref<1024xi32, #tpu.memory_space<vmem>>, vector<16xi32>,
      tpu.vector_store %arg11[%swap3A_258], %broadcast_in_dim3A_51 {strides = array<i32>} : memref<1024xi32, #tpu.memory_space<vmem>>, vector<16xi32>,
      %swap3A_260 = arith.constant 832 : index
      %swap3A_261 = tpu.vector_load %arg10[%swap3A_260] {strides = array<i32>} : memref<1024xi32, #tpu.memory_space<vmem>>, vector<16xi32>,
      tpu.vector_store %arg10[%swap3A_260], %broadcast_in_dim3A_51 {strides = array<i32>} : memref<1024xi32, #tpu.memory_space<vmem>>, vector<16xi32>,
      %swap3A_262 = arith.constant 832 : index
      %swap3A_263 = tpu.vector_load %arg11[%swap3A_262] {strides = array<i32>} : memref<1024xi32, #tpu.memory_space<vmem>>, vector<16xi32>,
      tpu.vector_store %arg11[%swap3A_262], %broadcast_in_dim3A_51 {strides = array<i32>} : memref<1024xi32, #tpu.memory_space<vmem>>, vector<16xi32>,
      %swap3A_264 = arith.constant 848 : index
      %swap3A_265 = tpu.vector_load %arg10[%swap3A_264] {strides = array<i32>} : memref<1024xi32, #tpu.memory_space<vmem>>, vector<16xi32>,
      tpu.vector_store %arg10[%swap3A_264], %broadcast_in_dim3A_51 {strides = array<i32>} : memref<1024xi32, #tpu.memory_space<vmem>>, vector<16xi32>,
      %swap3A_266 = arith.constant 848 : index
      %swap3A_267 = tpu.vector_load %arg11[%swap3A_266] {strides = array<i32>} : memref<1024xi32, #tpu.memory_space<vmem>>, vector<16xi32>,
      tpu.vector_store %arg11[%swap3A_266], %broadcast_in_dim3A_51 {strides = array<i32>} : memref<1024xi32, #tpu.memory_space<vmem>>, vector<16xi32>,
      %swap3A_268 = arith.constant 864 : index
      %swap3A_269 = tpu.vector_load %arg10[%swap3A_268] {strides = array<i32>} : memref<1024xi32, #tpu.memory_space<vmem>>, vector<16xi32>,
      tpu.vector_store %arg10[%swap3A_268], %broadcast_in_dim3A_51 {strides = array<i32>} : memref<1024xi32, #tpu.memory_space<vmem>>, vector<16xi32>,
      %swap3A_270 = arith.constant 864 : index
      %swap3A_271 = tpu.vector_load %arg11[%swap3A_270] {strides = array<i32>} : memref<1024xi32, #tpu.memory_space<vmem>>, vector<16xi32>,
      tpu.vector_store %arg11[%swap3A_270], %broadcast_in_dim3A_51 {strides = array<i32>} : memref<1024xi32, #tpu.memory_space<vmem>>, vector<16xi32>,
      %swap3A_272 = arith.constant 880 : index
      %swap3A_273 = tpu.vector_load %arg10[%swap3A_272] {strides = array<i32>} : memref<1024xi32, #tpu.memory_space<vmem>>, vector<16xi32>,
      tpu.vector_store %arg10[%swap3A_272], %broadcast_in_dim3A_51 {strides = array<i32>} : memref<1024xi32, #tpu.memory_space<vmem>>, vector<16xi32>,
      %swap3A_274 = arith.constant 880 : index
      %swap3A_275 = tpu.vector_load %arg11[%swap3A_274] {strides = array<i32>} : memref<1024xi32, #tpu.memory_space<vmem>>, vector<16xi32>,
      tpu.vector_store %arg11[%swap3A_274], %broadcast_in_dim3A_51 {strides = array<i32>} : memref<1024xi32, #tpu.memory_space<vmem>>, vector<16xi32>,
      %swap3A_276 = arith.constant 896 : index
      %swap3A_277 = tpu.vector_load %arg10[%swap3A_276] {strides = array<i32>} : memref<1024xi32, #tpu.memory_space<vmem>>, vector<16xi32>,
      tpu.vector_store %arg10[%swap3A_276], %broadcast_in_dim3A_51 {strides = array<i32>} : memref<1024xi32, #tpu.memory_space<vmem>>, vector<16xi32>,
      %swap3A_278 = arith.constant 896 : index
      %swap3A_279 = tpu.vector_load %arg11[%swap3A_278] {strides = array<i32>} : memref<1024xi32, #tpu.memory_space<vmem>>, vector<16xi32>,
      tpu.vector_store %arg11[%swap3A_278], %broadcast_in_dim3A_51 {strides = array<i32>} : memref<1024xi32, #tpu.memory_space<vmem>>, vector<16xi32>,
      %swap3A_280 = arith.constant 912 : index
      %swap3A_281 = tpu.vector_load %arg10[%swap3A_280] {strides = array<i32>} : memref<1024xi32, #tpu.memory_space<vmem>>, vector<16xi32>,
      tpu.vector_store %arg10[%swap3A_280], %broadcast_in_dim3A_51 {strides = array<i32>} : memref<1024xi32, #tpu.memory_space<vmem>>, vector<16xi32>,
      %swap3A_282 = arith.constant 912 : index
      %swap3A_283 = tpu.vector_load %arg11[%swap3A_282] {strides = array<i32>} : memref<1024xi32, #tpu.memory_space<vmem>>, vector<16xi32>,
      tpu.vector_store %arg11[%swap3A_282], %broadcast_in_dim3A_51 {strides = array<i32>} : memref<1024xi32, #tpu.memory_space<vmem>>, vector<16xi32>,
      %swap3A_284 = arith.constant 928 : index
      %swap3A_285 = tpu.vector_load %arg10[%swap3A_284] {strides = array<i32>} : memref<1024xi32, #tpu.memory_space<vmem>>, vector<16xi32>,
      tpu.vector_store %arg10[%swap3A_284], %broadcast_in_dim3A_51 {strides = array<i32>} : memref<1024xi32, #tpu.memory_space<vmem>>, vector<16xi32>,
      %swap3A_286 = arith.constant 928 : index
      %swap3A_287 = tpu.vector_load %arg11[%swap3A_286] {strides = array<i32>} : memref<1024xi32, #tpu.memory_space<vmem>>, vector<16xi32>,
      tpu.vector_store %arg11[%swap3A_286], %broadcast_in_dim3A_51 {strides = array<i32>} : memref<1024xi32, #tpu.memory_space<vmem>>, vector<16xi32>,
      %swap3A_288 = arith.constant 944 : index
      %swap3A_289 = tpu.vector_load %arg10[%swap3A_288] {strides = array<i32>} : memref<1024xi32, #tpu.memory_space<vmem>>, vector<16xi32>,
      tpu.vector_store %arg10[%swap3A_288], %broadcast_in_dim3A_51 {strides = array<i32>} : memref<1024xi32, #tpu.memory_space<vmem>>, vector<16xi32>,
      %swap3A_290 = arith.constant 944 : index
      %swap3A_291 = tpu.vector_load %arg11[%swap3A_290] {strides = array<i32>} : memref<1024xi32, #tpu.memory_space<vmem>>, vector<16xi32>,
      tpu.vector_store %arg11[%swap3A_290], %broadcast_in_dim3A_51 {strides = array<i32>} : memref<1024xi32, #tpu.memory_space<vmem>>, vector<16xi32>,
      %swap3A_292 = arith.constant 960 : index
      %swap3A_293 = tpu.vector_load %arg10[%swap3A_292] {strides = array<i32>} : memref<1024xi32, #tpu.memory_space<vmem>>, vector<16xi32>,
      tpu.vector_store %arg10[%swap3A_292], %broadcast_in_dim3A_51 {strides = array<i32>} : memref<1024xi32, #tpu.memory_space<vmem>>, vector<16xi32>,
      %swap3A_294 = arith.constant 960 : index
      %swap3A_295 = tpu.vector_load %arg11[%swap3A_294] {strides = array<i32>} : memref<1024xi32, #tpu.memory_space<vmem>>, vector<16xi32>,
      tpu.vector_store %arg11[%swap3A_294], %broadcast_in_dim3A_51 {strides = array<i32>} : memref<1024xi32, #tpu.memory_space<vmem>>, vector<16xi32>,
      %swap3A_296 = arith.constant 976 : index
      %swap3A_297 = tpu.vector_load %arg10[%swap3A_296] {strides = array<i32>} : memref<1024xi32, #tpu.memory_space<vmem>>, vector<16xi32>,
      tpu.vector_store %arg10[%swap3A_296], %broadcast_in_dim3A_51 {strides = array<i32>} : memref<1024xi32, #tpu.memory_space<vmem>>, vector<16xi32>,
      %swap3A_298 = arith.constant 976 : index
      %swap3A_299 = tpu.vector_load %arg11[%swap3A_298] {strides = array<i32>} : memref<1024xi32, #tpu.memory_space<vmem>>, vector<16xi32>,
      tpu.vector_store %arg11[%swap3A_298], %broadcast_in_dim3A_51 {strides = array<i32>} : memref<1024xi32, #tpu.memory_space<vmem>>, vector<16xi32>,
      %swap3A_300 = arith.constant 992 : index
      %swap3A_301 = tpu.vector_load %arg10[%swap3A_300] {strides = array<i32>} : memref<1024xi32, #tpu.memory_space<vmem>>, vector<16xi32>,
      tpu.vector_store %arg10[%swap3A_300], %broadcast_in_dim3A_51 {strides = array<i32>} : memref<1024xi32, #tpu.memory_space<vmem>>, vector<16xi32>,
      %swap3A_302 = arith.constant 992 : index
      %swap3A_303 = tpu.vector_load %arg11[%swap3A_302] {strides = array<i32>} : memref<1024xi32, #tpu.memory_space<vmem>>, vector<16xi32>,
      tpu.vector_store %arg11[%swap3A_302], %broadcast_in_dim3A_51 {strides = array<i32>} : memref<1024xi32, #tpu.memory_space<vmem>>, vector<16xi32>,
      %swap3A_304 = arith.constant 1008 : index
      %swap3A_305 = tpu.vector_load %arg10[%swap3A_304] {strides = array<i32>} : memref<1024xi32, #tpu.memory_space<vmem>>, vector<16xi32>,
      tpu.vector_store %arg10[%swap3A_304], %broadcast_in_dim3A_51 {strides = array<i32>} : memref<1024xi32, #tpu.memory_space<vmem>>, vector<16xi32>,
      %swap3A_306 = arith.constant 1008 : index
      %swap3A_307 = tpu.vector_load %arg11[%swap3A_306] {strides = array<i32>} : memref<1024xi32, #tpu.memory_space<vmem>>, vector<16xi32>,
      tpu.vector_store %arg11[%swap3A_306], %broadcast_in_dim3A_51 {strides = array<i32>} : memref<1024xi32, #tpu.memory_space<vmem>>, vector<16xi32>,
      %scan3A_308 = arith.constant 0 : i32
      %scan3A_309 = arith.constant 0 : i32
      %scan3A_310 = arith.constant 16 : i32
      %scan3A_311 = arith.addi %scan3A_309, %scan3A_310 : i32
      %scan3A_312 = arith.constant 1 : i32
      %scan3A_313 = scf.for %scan3A_325 = %scan3A_309 to %scan3A_311 step %scan3A_312 iter_args(%scan3A_326 = %scan3A_308) -> (i32)  : i32 {
        "tpu.region"() ({
          %run_scoped3A = tpu.sem_alloc : memref<!tpu.dma_semaphore, #tpu.memory_space<semaphore_mem>>
          %dma_start3A = arith.constant 0 : i32
          %dma_start3A_352 = tpu.memref_slice %arg13[%scan3A_325, %dma_start3A] : memref<16x16xi32, #tpu.memory_space<vmem_shared>> -> memref<1x16xi32, #tpu.memory_space<vmem_shared>>
          %dma_start3A_353 = tpu.memref_squeeze %dma_start3A_352 : memref<1x16xi32, #tpu.memory_space<vmem_shared>> -> memref<16xi32, #tpu.memory_space<vmem_shared>>
          %dma_start3A_354 = arith.constant 0 : i32
          %dma_start3A_355 = tpu.memref_slice %arg13[%scan3A_325, %dma_start3A_354] : memref<16x16xi32, #tpu.memory_space<vmem_shared>> -> memref<1x16xi32, #tpu.memory_space<vmem_shared>>
          %dma_start3A_356 = tpu.memref_squeeze %dma_start3A_355 : memref<1x16xi32, #tpu.memory_space<vmem_shared>> -> memref<16xi32, #tpu.memory_space<vmem_shared>>
          tpu.enqueue_dma source(%dma_start3A_356 : memref<16xi32, #tpu.memory_space<vmem_shared>>) target(%arg9 : memref<16xi32, #tpu.memory_space<vmem>>) target_semaphore(%run_scoped3A : memref<!tpu.dma_semaphore, #tpu.memory_space<semaphore_mem>>)
          %dma_wait3A = arith.constant 0 : i32
          %dma_wait3A_357 = tpu.memref_slice %arg13[%scan3A_325, %dma_wait3A] : memref<16x16xi32, #tpu.memory_space<vmem_shared>> -> memref<1x16xi32, #tpu.memory_space<vmem_shared>>
          %dma_wait3A_358 = tpu.memref_squeeze %dma_wait3A_357 : memref<1x16xi32, #tpu.memory_space<vmem_shared>> -> memref<16xi32, #tpu.memory_space<vmem_shared>>
          %dma_wait3A_359 = arith.constant 0 : i32
          %dma_wait3A_360 = tpu.memref_slice %arg13[%scan3A_325, %dma_wait3A_359] : memref<16x16xi32, #tpu.memory_space<vmem_shared>> -> memref<1x16xi32, #tpu.memory_space<vmem_shared>>
          %dma_wait3A_361 = tpu.memref_squeeze %dma_wait3A_360 : memref<1x16xi32, #tpu.memory_space<vmem_shared>> -> memref<16xi32, #tpu.memory_space<vmem_shared>>
          tpu.wait_dma2 semaphore(%run_scoped3A : memref<!tpu.dma_semaphore, #tpu.memory_space<semaphore_mem>>) src(%dma_wait3A_361 : memref<16xi32, #tpu.memory_space<vmem_shared>>) dst(%arg9 : memref<16xi32, #tpu.memory_space<vmem>>)
          tpu.yield
        }) : () -> ()
        %get3A_327 = arith.constant 0 : index
        %get3A_328 = tpu.vector_load %arg9[%get3A_327] {strides = array<i32>} : memref<16xi32, #tpu.memory_space<vmem>>, vector<16xi32>,
        %eq3A_329 = arith.constant 0 : i32
        %eq3A_330 = vector.broadcast %eq3A_329 : i32 to vector<16xi32>
        %eq3A_331 = arith.cmpi eq, %iota3A, %eq3A_330 : vector<16xi32>
        %jit3A_332 = arith.constant 0 : i32
        %broadcast_in_dim3A_333 = vector.broadcast %jit3A_332 : i32 to vector<16xi32>
        %select_n3A_334 = arith.select %eq3A_331, %get3A_328, %broadcast_in_dim3A_333 : vector<16xi1>, vector<16xi32>
        %reduce_sum3A_335 = arith.constant true
        %reduce_sum3A_336 = vector.broadcast %reduce_sum3A_335 : i1 to vector<16xi1>
        %reduce_sum3A_337 = tpu.scan <sum>, %select_n3A_334 masked %reduce_sum3A_336 : vector<16xi32>, vector<16xi1> -> vector<16xi32>
        %reduce_sum3A_338 = vector.extract %reduce_sum3A_337[15] : i32 from vector<16xi32>
        "tpu.region"() ({
          %run_scoped3A = tpu.sem_alloc : memref<!tpu.dma_semaphore, #tpu.memory_space<semaphore_mem>>
          %dma_start3A = arith.constant 0 : i32
          %dma_start3A_352 = tpu.memref_slice %arg14[%scan3A_325, %dma_start3A] : memref<16x6272xi32, #tpu.memory_space<vmem_shared>> -> memref<1x6272xi32, #tpu.memory_space<vmem_shared>>
          %dma_start3A_353 = tpu.memref_squeeze %dma_start3A_352 : memref<1x6272xi32, #tpu.memory_space<vmem_shared>> -> memref<6272xi32, #tpu.memory_space<vmem_shared>>
          %dma_start3A_354 = arith.constant 0 : i32
          %dma_start3A_355 = tpu.memref_slice %arg14[%scan3A_325, %dma_start3A_354] : memref<16x6272xi32, #tpu.memory_space<vmem_shared>> -> memref<1x6272xi32, #tpu.memory_space<vmem_shared>>
          %dma_start3A_356 = tpu.memref_squeeze %dma_start3A_355 : memref<1x6272xi32, #tpu.memory_space<vmem_shared>> -> memref<6272xi32, #tpu.memory_space<vmem_shared>>
          tpu.enqueue_dma source(%dma_start3A_356 : memref<6272xi32, #tpu.memory_space<vmem_shared>>) target(%arg12 : memref<6272xi32, #tpu.memory_space<vmem>>) target_semaphore(%run_scoped3A : memref<!tpu.dma_semaphore, #tpu.memory_space<semaphore_mem>>)
          %dma_wait3A = arith.constant 0 : i32
          %dma_wait3A_357 = tpu.memref_slice %arg14[%scan3A_325, %dma_wait3A] : memref<16x6272xi32, #tpu.memory_space<vmem_shared>> -> memref<1x6272xi32, #tpu.memory_space<vmem_shared>>
          %dma_wait3A_358 = tpu.memref_squeeze %dma_wait3A_357 : memref<1x6272xi32, #tpu.memory_space<vmem_shared>> -> memref<6272xi32, #tpu.memory_space<vmem_shared>>
          %dma_wait3A_359 = arith.constant 0 : i32
          %dma_wait3A_360 = tpu.memref_slice %arg14[%scan3A_325, %dma_wait3A_359] : memref<16x6272xi32, #tpu.memory_space<vmem_shared>> -> memref<1x6272xi32, #tpu.memory_space<vmem_shared>>
          %dma_wait3A_361 = tpu.memref_squeeze %dma_wait3A_360 : memref<1x6272xi32, #tpu.memory_space<vmem_shared>> -> memref<6272xi32, #tpu.memory_space<vmem_shared>>
          tpu.wait_dma2 semaphore(%run_scoped3A : memref<!tpu.dma_semaphore, #tpu.memory_space<semaphore_mem>>) src(%dma_wait3A_361 : memref<6272xi32, #tpu.memory_space<vmem_shared>>) dst(%arg12 : memref<6272xi32, #tpu.memory_space<vmem>>)
          tpu.yield
        }) : () -> ()
        %add3A_339 = arith.constant 15 : i32
        %add3A_340 = arith.addi %reduce_sum3A_338, %add3A_339 : i32
        %shift_right_arithmetic3A = arith.constant 4 : i32
        %shift_right_arithmetic3A_341 = arith.shrsi %add3A_340, %shift_right_arithmetic3A : i32
        %while3A = arith.constant 0 : i32
        %while3A_342 = arith.subi %shift_right_arithmetic3A_341, %while3A : i32
        %while3A_343 = arith.addi %while3A, %while3A_342 : i32
        %while3A_344 = arith.constant 1 : i32
        %while3A_345 = arith.divsi %while3A_342, %while3A_344 : i32
        %while3A_346 = arith.muli %while3A_345, %while3A_344 : i32
        %while3A_347 = arith.addi %while3A, %while3A_346 : i32
        %while3A_348 = arith.constant 1 : i32
        %while3A_349 = scf.for %while3A_352 = %while3A to %while3A_347 step %while3A_348 iter_args(%while3A_353 = %scan3A_326) -> (i32)  : i32 {
          %mul3A_354 = arith.constant 16 : i32
          %mul3A_355 = arith.muli %while3A_352, %mul3A_354 : i32
          %get3A_356 = arith.index_cast %mul3A_355 : i32 to index
          %get3A_357 = tpu.vector_load %arg12[%get3A_356] {strides = array<i32>} : memref<6272xi32, #tpu.memory_space<vmem>>, vector<16xi32>,
          %mul3A_358 = arith.constant 16 : i32
          %mul3A_359 = arith.muli %while3A_352, %mul3A_358 : i32
          %sub3A = arith.subi %reduce_sum3A_338, %mul3A_359 : i32
          %lt3A = vector.broadcast %sub3A : i32 to vector<16xi32>
          %lt3A_360 = arith.cmpi slt, %iota3A, %lt3A : vector<16xi32>
          %add3A_361 = vector.broadcast %while3A_353 : i32 to vector<16xi32>
          %add3A_362 = arith.addi %add3A_361, %iota3A : vector<16xi32>
          %shift_right_logical3A = arith.constant 1 : i32
          %shift_right_logical3A_363 = vector.broadcast %shift_right_logical3A : i32 to vector<16xi32>
          %shift_right_logical3A_364 = arith.shrui %get3A_357, %shift_right_logical3A_363 : vector<16xi32>
          tpu.vector_store_idx %arg10[%add3A_362], %shift_right_logical3A_364 masked %lt3A_360 : memref<1024xi32, #tpu.memory_space<vmem>>[vector<16xi32>], vector<16xi32>, vector<16xi1>
          %and3A = arith.constant 1 : i32
          %and3A_365 = vector.broadcast %and3A : i32 to vector<16xi32>
          %and3A_366 = arith.andi %get3A_357, %and3A_365 : vector<16xi32>
          tpu.vector_store_idx %arg11[%add3A_362], %and3A_366 masked %lt3A_360 : memref<1024xi32, #tpu.memory_space<vmem>>[vector<16xi32>], vector<16xi32>, vector<16xi1>
          %min3A = arith.constant 16 : i32
          %min3A_367 = arith.minsi %sub3A, %min3A : i32
          %add3A_368 = arith.addi %while3A_353, %min3A_367 : i32
          scf.yield %add3A_368 : i32
        }
        %while3A_350 = arith.constant 1 : i32
        %while3A_351 = scf.for %while3A_352 = %while3A_347 to %while3A_343 step %while3A_350 iter_args(%while3A_353 = %while3A_349) -> (i32)  : i32 {
          %mul3A_354 = arith.constant 16 : i32
          %mul3A_355 = arith.muli %while3A_352, %mul3A_354 : i32
          %get3A_356 = arith.index_cast %mul3A_355 : i32 to index
          %get3A_357 = tpu.vector_load %arg12[%get3A_356] {strides = array<i32>} : memref<6272xi32, #tpu.memory_space<vmem>>, vector<16xi32>,
          %mul3A_358 = arith.constant 16 : i32
          %mul3A_359 = arith.muli %while3A_352, %mul3A_358 : i32
          %sub3A = arith.subi %reduce_sum3A_338, %mul3A_359 : i32
          %lt3A = vector.broadcast %sub3A : i32 to vector<16xi32>
          %lt3A_360 = arith.cmpi slt, %iota3A, %lt3A : vector<16xi32>
          %add3A_361 = vector.broadcast %while3A_353 : i32 to vector<16xi32>
          %add3A_362 = arith.addi %add3A_361, %iota3A : vector<16xi32>
          %shift_right_logical3A = arith.constant 1 : i32
          %shift_right_logical3A_363 = vector.broadcast %shift_right_logical3A : i32 to vector<16xi32>
          %shift_right_logical3A_364 = arith.shrui %get3A_357, %shift_right_logical3A_363 : vector<16xi32>
          tpu.vector_store_idx %arg10[%add3A_362], %shift_right_logical3A_364 masked %lt3A_360 : memref<1024xi32, #tpu.memory_space<vmem>>[vector<16xi32>], vector<16xi32>, vector<16xi1>
          %and3A = arith.constant 1 : i32
          %and3A_365 = vector.broadcast %and3A : i32 to vector<16xi32>
          %and3A_366 = arith.andi %get3A_357, %and3A_365 : vector<16xi32>
          tpu.vector_store_idx %arg11[%add3A_362], %and3A_366 masked %lt3A_360 : memref<1024xi32, #tpu.memory_space<vmem>>[vector<16xi32>], vector<16xi32>, vector<16xi1>
          %min3A = arith.constant 16 : i32
          %min3A_367 = arith.minsi %sub3A, %min3A : i32
          %add3A_368 = arith.addi %while3A_353, %min3A_367 : i32
          scf.yield %add3A_368 : i32
        }
        scf.yield %while3A_351 : i32
      }
      %scan3A_314 = arith.constant 16 : i32
      %scan3A_315 = arith.constant 0 : i32
      %scan3A_316 = arith.constant 16 : i32
      %scan3A_317 = arith.addi %scan3A_315, %scan3A_316 : i32
      %scan3A_318 = arith.constant 1 : i32
      %scan3A_319 = scf.for %scan3A_325 = %scan3A_315 to %scan3A_317 step %scan3A_318 iter_args(%scan3A_326 = %scan3A_313) -> (i32)  : i32 {
        "tpu.region"() ({
          %run_scoped3A = tpu.sem_alloc : memref<!tpu.dma_semaphore, #tpu.memory_space<semaphore_mem>>
          %dma_start3A = arith.constant 0 : i32
          %dma_start3A_353 = tpu.memref_slice %arg13[%scan3A_325, %dma_start3A] : memref<16x16xi32, #tpu.memory_space<vmem_shared>> -> memref<1x16xi32, #tpu.memory_space<vmem_shared>>
          %dma_start3A_354 = tpu.memref_squeeze %dma_start3A_353 : memref<1x16xi32, #tpu.memory_space<vmem_shared>> -> memref<16xi32, #tpu.memory_space<vmem_shared>>
          %dma_start3A_355 = arith.constant 0 : i32
          %dma_start3A_356 = tpu.memref_slice %arg13[%scan3A_325, %dma_start3A_355] : memref<16x16xi32, #tpu.memory_space<vmem_shared>> -> memref<1x16xi32, #tpu.memory_space<vmem_shared>>
          %dma_start3A_357 = tpu.memref_squeeze %dma_start3A_356 : memref<1x16xi32, #tpu.memory_space<vmem_shared>> -> memref<16xi32, #tpu.memory_space<vmem_shared>>
          tpu.enqueue_dma source(%dma_start3A_357 : memref<16xi32, #tpu.memory_space<vmem_shared>>) target(%arg9 : memref<16xi32, #tpu.memory_space<vmem>>) target_semaphore(%run_scoped3A : memref<!tpu.dma_semaphore, #tpu.memory_space<semaphore_mem>>)
          %dma_wait3A = arith.constant 0 : i32
          %dma_wait3A_358 = tpu.memref_slice %arg13[%scan3A_325, %dma_wait3A] : memref<16x16xi32, #tpu.memory_space<vmem_shared>> -> memref<1x16xi32, #tpu.memory_space<vmem_shared>>
          %dma_wait3A_359 = tpu.memref_squeeze %dma_wait3A_358 : memref<1x16xi32, #tpu.memory_space<vmem_shared>> -> memref<16xi32, #tpu.memory_space<vmem_shared>>
          %dma_wait3A_360 = arith.constant 0 : i32
          %dma_wait3A_361 = tpu.memref_slice %arg13[%scan3A_325, %dma_wait3A_360] : memref<16x16xi32, #tpu.memory_space<vmem_shared>> -> memref<1x16xi32, #tpu.memory_space<vmem_shared>>
          %dma_wait3A_362 = tpu.memref_squeeze %dma_wait3A_361 : memref<1x16xi32, #tpu.memory_space<vmem_shared>> -> memref<16xi32, #tpu.memory_space<vmem_shared>>
          tpu.wait_dma2 semaphore(%run_scoped3A : memref<!tpu.dma_semaphore, #tpu.memory_space<semaphore_mem>>) src(%dma_wait3A_362 : memref<16xi32, #tpu.memory_space<vmem_shared>>) dst(%arg9 : memref<16xi32, #tpu.memory_space<vmem>>)
          tpu.yield
        }) : () -> ()
        %get3A_327 = arith.constant 0 : index
        %get3A_328 = tpu.vector_load %arg9[%get3A_327] {strides = array<i32>} : memref<16xi32, #tpu.memory_space<vmem>>, vector<16xi32>,
        %eq3A_329 = arith.constant 1 : i32
        %eq3A_330 = vector.broadcast %eq3A_329 : i32 to vector<16xi32>
        %eq3A_331 = arith.cmpi eq, %iota3A, %eq3A_330 : vector<16xi32>
        %jit3A_332 = arith.constant 0 : i32
        %broadcast_in_dim3A_333 = vector.broadcast %jit3A_332 : i32 to vector<16xi32>
        %select_n3A_334 = arith.select %eq3A_331, %get3A_328, %broadcast_in_dim3A_333 : vector<16xi1>, vector<16xi32>
        %reduce_sum3A_335 = arith.constant true
        %reduce_sum3A_336 = vector.broadcast %reduce_sum3A_335 : i1 to vector<16xi1>
        %reduce_sum3A_337 = tpu.scan <sum>, %select_n3A_334 masked %reduce_sum3A_336 : vector<16xi32>, vector<16xi1> -> vector<16xi32>
        %reduce_sum3A_338 = vector.extract %reduce_sum3A_337[15] : i32 from vector<16xi32>
        %sub3A = arith.constant 1024 : i32
        %sub3A_339 = arith.subi %sub3A, %scan3A_326 : i32
        %min3A = arith.minsi %reduce_sum3A_338, %sub3A_339 : i32
        "tpu.region"() ({
          %run_scoped3A = tpu.sem_alloc : memref<!tpu.dma_semaphore, #tpu.memory_space<semaphore_mem>>
          %dma_start3A = arith.constant 0 : i32
          %dma_start3A_353 = tpu.memref_slice %arg15[%scan3A_325, %dma_start3A] : memref<16x6272xi32, #tpu.memory_space<vmem_shared>> -> memref<1x6272xi32, #tpu.memory_space<vmem_shared>>
          %dma_start3A_354 = tpu.memref_squeeze %dma_start3A_353 : memref<1x6272xi32, #tpu.memory_space<vmem_shared>> -> memref<6272xi32, #tpu.memory_space<vmem_shared>>
          %dma_start3A_355 = arith.constant 0 : i32
          %dma_start3A_356 = tpu.memref_slice %arg15[%scan3A_325, %dma_start3A_355] : memref<16x6272xi32, #tpu.memory_space<vmem_shared>> -> memref<1x6272xi32, #tpu.memory_space<vmem_shared>>
          %dma_start3A_357 = tpu.memref_squeeze %dma_start3A_356 : memref<1x6272xi32, #tpu.memory_space<vmem_shared>> -> memref<6272xi32, #tpu.memory_space<vmem_shared>>
          tpu.enqueue_dma source(%dma_start3A_357 : memref<6272xi32, #tpu.memory_space<vmem_shared>>) target(%arg12 : memref<6272xi32, #tpu.memory_space<vmem>>) target_semaphore(%run_scoped3A : memref<!tpu.dma_semaphore, #tpu.memory_space<semaphore_mem>>)
          %dma_wait3A = arith.constant 0 : i32
          %dma_wait3A_358 = tpu.memref_slice %arg15[%scan3A_325, %dma_wait3A] : memref<16x6272xi32, #tpu.memory_space<vmem_shared>> -> memref<1x6272xi32, #tpu.memory_space<vmem_shared>>
          %dma_wait3A_359 = tpu.memref_squeeze %dma_wait3A_358 : memref<1x6272xi32, #tpu.memory_space<vmem_shared>> -> memref<6272xi32, #tpu.memory_space<vmem_shared>>
          %dma_wait3A_360 = arith.constant 0 : i32
          %dma_wait3A_361 = tpu.memref_slice %arg15[%scan3A_325, %dma_wait3A_360] : memref<16x6272xi32, #tpu.memory_space<vmem_shared>> -> memref<1x6272xi32, #tpu.memory_space<vmem_shared>>
          %dma_wait3A_362 = tpu.memref_squeeze %dma_wait3A_361 : memref<1x6272xi32, #tpu.memory_space<vmem_shared>> -> memref<6272xi32, #tpu.memory_space<vmem_shared>>
          tpu.wait_dma2 semaphore(%run_scoped3A : memref<!tpu.dma_semaphore, #tpu.memory_space<semaphore_mem>>) src(%dma_wait3A_362 : memref<6272xi32, #tpu.memory_space<vmem_shared>>) dst(%arg12 : memref<6272xi32, #tpu.memory_space<vmem>>)
          tpu.yield
        }) : () -> ()
        %add3A_340 = arith.constant 15 : i32
        %add3A_341 = arith.addi %min3A, %add3A_340 : i32
        %shift_right_arithmetic3A = arith.constant 4 : i32
        %shift_right_arithmetic3A_342 = arith.shrsi %add3A_341, %shift_right_arithmetic3A : i32
        %while3A = arith.constant 0 : i32
        %while3A_343 = arith.subi %shift_right_arithmetic3A_342, %while3A : i32
        %while3A_344 = arith.addi %while3A, %while3A_343 : i32
        %while3A_345 = arith.constant 1 : i32
        %while3A_346 = arith.divsi %while3A_343, %while3A_345 : i32
        %while3A_347 = arith.muli %while3A_346, %while3A_345 : i32
        %while3A_348 = arith.addi %while3A, %while3A_347 : i32
        %while3A_349 = arith.constant 1 : i32
        %while3A_350 = scf.for %while3A_353 = %while3A to %while3A_348 step %while3A_349 iter_args(%while3A_354 = %scan3A_326) -> (i32)  : i32 {
          %mul3A_355 = arith.constant 16 : i32
          %mul3A_356 = arith.muli %while3A_353, %mul3A_355 : i32
          %get3A_357 = arith.index_cast %mul3A_356 : i32 to index
          %get3A_358 = tpu.vector_load %arg12[%get3A_357] {strides = array<i32>} : memref<6272xi32, #tpu.memory_space<vmem>>, vector<16xi32>,
          %mul3A_359 = arith.constant 16 : i32
          %mul3A_360 = arith.muli %while3A_353, %mul3A_359 : i32
          %sub3A_361 = arith.subi %min3A, %mul3A_360 : i32
          %lt3A = vector.broadcast %sub3A_361 : i32 to vector<16xi32>
          %lt3A_362 = arith.cmpi slt, %iota3A, %lt3A : vector<16xi32>
          %add3A_363 = vector.broadcast %while3A_354 : i32 to vector<16xi32>
          %add3A_364 = arith.addi %add3A_363, %iota3A : vector<16xi32>
          %shift_right_logical3A = arith.constant 1 : i32
          %shift_right_logical3A_365 = vector.broadcast %shift_right_logical3A : i32 to vector<16xi32>
          %shift_right_logical3A_366 = arith.shrui %get3A_358, %shift_right_logical3A_365 : vector<16xi32>
          tpu.vector_store_idx %arg10[%add3A_364], %shift_right_logical3A_366 masked %lt3A_362 : memref<1024xi32, #tpu.memory_space<vmem>>[vector<16xi32>], vector<16xi32>, vector<16xi1>
          %and3A = arith.constant 1 : i32
          %and3A_367 = vector.broadcast %and3A : i32 to vector<16xi32>
          %and3A_368 = arith.andi %get3A_358, %and3A_367 : vector<16xi32>
          tpu.vector_store_idx %arg11[%add3A_364], %and3A_368 masked %lt3A_362 : memref<1024xi32, #tpu.memory_space<vmem>>[vector<16xi32>], vector<16xi32>, vector<16xi1>
          %min3A_369 = arith.constant 16 : i32
          %min3A_370 = arith.minsi %sub3A_361, %min3A_369 : i32
          %add3A_371 = arith.addi %while3A_354, %min3A_370 : i32
          scf.yield %add3A_371 : i32
        }
        %while3A_351 = arith.constant 1 : i32
        %while3A_352 = scf.for %while3A_353 = %while3A_348 to %while3A_344 step %while3A_351 iter_args(%while3A_354 = %while3A_350) -> (i32)  : i32 {
          %mul3A_355 = arith.constant 16 : i32
          %mul3A_356 = arith.muli %while3A_353, %mul3A_355 : i32
          %get3A_357 = arith.index_cast %mul3A_356 : i32 to index
          %get3A_358 = tpu.vector_load %arg12[%get3A_357] {strides = array<i32>} : memref<6272xi32, #tpu.memory_space<vmem>>, vector<16xi32>,
          %mul3A_359 = arith.constant 16 : i32
          %mul3A_360 = arith.muli %while3A_353, %mul3A_359 : i32
          %sub3A_361 = arith.subi %min3A, %mul3A_360 : i32
          %lt3A = vector.broadcast %sub3A_361 : i32 to vector<16xi32>
          %lt3A_362 = arith.cmpi slt, %iota3A, %lt3A : vector<16xi32>
          %add3A_363 = vector.broadcast %while3A_354 : i32 to vector<16xi32>
          %add3A_364 = arith.addi %add3A_363, %iota3A : vector<16xi32>
          %shift_right_logical3A = arith.constant 1 : i32
          %shift_right_logical3A_365 = vector.broadcast %shift_right_logical3A : i32 to vector<16xi32>
          %shift_right_logical3A_366 = arith.shrui %get3A_358, %shift_right_logical3A_365 : vector<16xi32>
          tpu.vector_store_idx %arg10[%add3A_364], %shift_right_logical3A_366 masked %lt3A_362 : memref<1024xi32, #tpu.memory_space<vmem>>[vector<16xi32>], vector<16xi32>, vector<16xi1>
          %and3A = arith.constant 1 : i32
          %and3A_367 = vector.broadcast %and3A : i32 to vector<16xi32>
          %and3A_368 = arith.andi %get3A_358, %and3A_367 : vector<16xi32>
          tpu.vector_store_idx %arg11[%add3A_364], %and3A_368 masked %lt3A_362 : memref<1024xi32, #tpu.memory_space<vmem>>[vector<16xi32>], vector<16xi32>, vector<16xi1>
          %min3A_369 = arith.constant 16 : i32
          %min3A_370 = arith.minsi %sub3A_361, %min3A_369 : i32
          %add3A_371 = arith.addi %while3A_354, %min3A_370 : i32
          scf.yield %add3A_371 : i32
        }
        scf.yield %while3A_352 : i32
      }
      %scan3A_320 = arith.constant 16 : i32
      %mul3A_321 = arith.constant 1024 : i32
      %mul3A_322 = arith.muli %arg0, %mul3A_321 : i32
      "tpu.region"() ({
        %run_scoped3A = tpu.sem_alloc : memref<!tpu.dma_semaphore, #tpu.memory_space<semaphore_mem>>
        %dma_start3A = tpu.memref_slice %arg4[%mul3A_322] : memref<2048xi32, #tpu.memory_space<hbm>> -> memref<1024xi32, #tpu.memory_space<hbm>>
        %dma_start3A_325 = tpu.memref_slice %arg4[%mul3A_322] : memref<2048xi32, #tpu.memory_space<hbm>> -> memref<1024xi32, #tpu.memory_space<hbm>>
        tpu.enqueue_dma source(%arg10 : memref<1024xi32, #tpu.memory_space<vmem>>) target(%dma_start3A_325 : memref<1024xi32, #tpu.memory_space<hbm>>) target_semaphore(%run_scoped3A : memref<!tpu.dma_semaphore, #tpu.memory_space<semaphore_mem>>)
        %dma_wait3A = tpu.memref_slice %arg4[%mul3A_322] : memref<2048xi32, #tpu.memory_space<hbm>> -> memref<1024xi32, #tpu.memory_space<hbm>>
        %dma_wait3A_326 = tpu.memref_slice %arg4[%mul3A_322] : memref<2048xi32, #tpu.memory_space<hbm>> -> memref<1024xi32, #tpu.memory_space<hbm>>
        tpu.wait_dma2 semaphore(%run_scoped3A : memref<!tpu.dma_semaphore, #tpu.memory_space<semaphore_mem>>) src(%arg10 : memref<1024xi32, #tpu.memory_space<vmem>>) dst(%dma_wait3A_326 : memref<1024xi32, #tpu.memory_space<hbm>>)
        tpu.yield
      }) : () -> ()
      %mul3A_323 = arith.constant 1024 : i32
      %mul3A_324 = arith.muli %arg0, %mul3A_323 : i32
      "tpu.region"() ({
        %run_scoped3A = tpu.sem_alloc : memref<!tpu.dma_semaphore, #tpu.memory_space<semaphore_mem>>
        %dma_start3A = tpu.memref_slice %arg5[%mul3A_324] : memref<2048xi32, #tpu.memory_space<hbm>> -> memref<1024xi32, #tpu.memory_space<hbm>>
        %dma_start3A_325 = tpu.memref_slice %arg5[%mul3A_324] : memref<2048xi32, #tpu.memory_space<hbm>> -> memref<1024xi32, #tpu.memory_space<hbm>>
        tpu.enqueue_dma source(%arg11 : memref<1024xi32, #tpu.memory_space<vmem>>) target(%dma_start3A_325 : memref<1024xi32, #tpu.memory_space<hbm>>) target_semaphore(%run_scoped3A : memref<!tpu.dma_semaphore, #tpu.memory_space<semaphore_mem>>)
        %dma_wait3A = tpu.memref_slice %arg5[%mul3A_324] : memref<2048xi32, #tpu.memory_space<hbm>> -> memref<1024xi32, #tpu.memory_space<hbm>>
        %dma_wait3A_326 = tpu.memref_slice %arg5[%mul3A_324] : memref<2048xi32, #tpu.memory_space<hbm>> -> memref<1024xi32, #tpu.memory_space<hbm>>
        tpu.wait_dma2 semaphore(%run_scoped3A : memref<!tpu.dma_semaphore, #tpu.memory_space<semaphore_mem>>) src(%arg11 : memref<1024xi32, #tpu.memory_space<vmem>>) dst(%dma_wait3A_326 : memref<1024xi32, #tpu.memory_space<hbm>>)
        tpu.yield
      }) : () -> ()
    } else {
    }
    return
  }
}

module attributes {stable_mosaic.version = 14 : i64} {
  func.func @_select_kernel(%arg0: memref<784x128xf32, #tpu.memory_space<vmem>>, %arg1: memref<784x128xf32, #tpu.memory_space<vmem>>, %arg2: memref<784x128xf32, #tpu.memory_space<vmem>>, %arg3: memref<784x128xi32, #tpu.memory_space<vmem>>, %arg4: memref<784x128xi32, #tpu.memory_space<vmem>>, %arg5: memref<1x128xi32, #tpu.memory_space<vmem>>) attributes {dimension_semantics = [], scalar_prefetch = 0 : i64, scratch_operands = 0 : i64, tpu.core_type = #tpu.core_type<tc>} {
    %get3A = arith.constant 0 : index
    %get3A_0 = arith.constant 0 : index
    %get3A_1 = vector.load %arg0[%get3A, %get3A_0] : memref<784x128xf32, #tpu.memory_space<vmem>>, vector<784x128xf32>
    %iota3A = tpu.iota {dimensions = array<i32: 0>} : vector<784x128xi32>
    %iota3A_2 = tpu.iota {dimensions = array<i32: 1>} : vector<784x128xi32>
    %mul3A = arith.constant 128 : i32
    %mul3A_3 = vector.broadcast %mul3A : i32 to vector<784x128xi32>
    %mul3A_4 = arith.muli %iota3A, %mul3A_3 : vector<784x128xi32>
    %add3A = arith.addi %mul3A_4, %iota3A_2 : vector<784x128xi32>
    %lt3A = arith.constant 100000 : i32
    %lt3A_5 = vector.broadcast %lt3A : i32 to vector<784x128xi32>
    %lt3A_6 = arith.cmpi slt, %add3A, %lt3A_5 : vector<784x128xi32>
    %sub3A = arith.constant 1.000000e+00 : f32
    %sub3A_7 = vector.broadcast %sub3A : f32 to vector<784x128xf32>
    %sub3A_8 = arith.subf %sub3A_7, %get3A_1 : vector<784x128xf32>
    %jit3A = arith.constant 0.000000e+00 : f32
    %broadcast_in_dim3A = vector.broadcast %jit3A : f32 to vector<784x128xf32>
    %select_n3A = arith.select %lt3A_6, %sub3A_8, %broadcast_in_dim3A : vector<784x128xi1>, vector<784x128xf32>
    %reduce_sum3A = vector.shape_cast %select_n3A : vector<784x128xf32> to vector<1x784x128xf32>
    %reduce_sum3A_9 = arith.constant dense<0.000000e+00> : vector<1xf32>
    %reduce_sum3A_10 = vector.multi_reduction <add>, %reduce_sum3A, %reduce_sum3A_9 [1, 2] : vector<1x784x128xf32> to vector<1xf32>
    %reduce_sum3A_11 = vector.shape_cast %reduce_sum3A_10 : vector<1xf32> to vector<1x1x1xf32>
    %reduce_sum3A_12 = vector.extract %reduce_sum3A_11[0, 0, 0] : f32 from vector<1x1x1xf32>
    %jit3A_13 = arith.constant 0.000000e+00 : f32
    %broadcast_in_dim3A_14 = vector.broadcast %jit3A_13 : f32 to vector<784x128xf32>
    %select_n3A_15 = arith.select %lt3A_6, %get3A_1, %broadcast_in_dim3A_14 : vector<784x128xi1>, vector<784x128xf32>
    %reduce_sum3A_16 = vector.shape_cast %select_n3A_15 : vector<784x128xf32> to vector<1x784x128xf32>
    %reduce_sum3A_17 = arith.constant dense<0.000000e+00> : vector<1xf32>
    %reduce_sum3A_18 = vector.multi_reduction <add>, %reduce_sum3A_16, %reduce_sum3A_17 [1, 2] : vector<1x784x128xf32> to vector<1xf32>
    %reduce_sum3A_19 = vector.shape_cast %reduce_sum3A_18 : vector<1xf32> to vector<1x1x1xf32>
    %reduce_sum3A_20 = vector.extract %reduce_sum3A_19[0, 0, 0] : f32 from vector<1x1x1xf32>
    %div3A = vector.broadcast %reduce_sum3A_12 : f32 to vector<784x128xf32>
    %div3A_21 = arith.divf %sub3A_8, %div3A : vector<784x128xf32>
    %log3A = math.log %div3A_21 : vector<784x128xf32>
    %get3A_22 = arith.constant 0 : index
    %get3A_23 = arith.constant 0 : index
    %get3A_24 = vector.load %arg1[%get3A_22, %get3A_23] : memref<784x128xf32, #tpu.memory_space<vmem>>, vector<784x128xf32>
    %log3A_25 = math.log %get3A_24 : vector<784x128xf32>
    %neg3A = arith.constant 0.000000e+00 : f32
    %neg3A_26 = vector.broadcast %neg3A : f32 to vector<784x128xf32>
    %neg3A_27 = arith.subf %neg3A_26, %log3A_25 : vector<784x128xf32>
    %log3A_28 = math.log %neg3A_27 : vector<784x128xf32>
    %sub3A_29 = arith.subf %log3A, %log3A_28 : vector<784x128xf32>
    %div3A_30 = vector.broadcast %reduce_sum3A_20 : f32 to vector<784x128xf32>
    %div3A_31 = arith.divf %get3A_1, %div3A_30 : vector<784x128xf32>
    %log3A_32 = math.log %div3A_31 : vector<784x128xf32>
    %get3A_33 = arith.constant 0 : index
    %get3A_34 = arith.constant 0 : index
    %get3A_35 = vector.load %arg2[%get3A_33, %get3A_34] : memref<784x128xf32, #tpu.memory_space<vmem>>, vector<784x128xf32>
    %log3A_36 = math.log %get3A_35 : vector<784x128xf32>
    %neg3A_37 = arith.constant 0.000000e+00 : f32
    %neg3A_38 = vector.broadcast %neg3A_37 : f32 to vector<784x128xf32>
    %neg3A_39 = arith.subf %neg3A_38, %log3A_36 : vector<784x128xf32>
    %log3A_40 = math.log %neg3A_39 : vector<784x128xf32>
    %sub3A_41 = arith.subf %log3A_32, %log3A_40 : vector<784x128xf32>
    %bitcast_convert_type3A = tpu.bitcast %sub3A_29 : vector<784x128xf32> -> vector<784x128xi32>
    %shift_right_logical3A = arith.constant 31 : i32
    %shift_right_logical3A_42 = vector.broadcast %shift_right_logical3A : i32 to vector<784x128xi32>
    %shift_right_logical3A_43 = arith.shrui %bitcast_convert_type3A, %shift_right_logical3A_42 : vector<784x128xi32>
    %eq3A = arith.constant 1 : i32
    %eq3A_44 = vector.broadcast %eq3A : i32 to vector<784x128xi32>
    %eq3A_45 = arith.cmpi eq, %shift_right_logical3A_43, %eq3A_44 : vector<784x128xi32>
    %jit3A_46 = arith.constant -1 : i32
    %jit3A_47 = arith.constant -2147483648 : i32
    %broadcast_in_dim3A_48 = vector.broadcast %jit3A_46 : i32 to vector<784x128xi32>
    %broadcast_in_dim3A_49 = vector.broadcast %jit3A_47 : i32 to vector<784x128xi32>
    %select_n3A_50 = arith.select %eq3A_45, %broadcast_in_dim3A_48, %broadcast_in_dim3A_49 : vector<784x128xi1>, vector<784x128xi32>
    %xor3A = arith.xori %bitcast_convert_type3A, %select_n3A_50 : vector<784x128xi32>
    %not3A = arith.constant dense<-1> : vector<784x128xi32>
    %not3A_51 = arith.xori %xor3A, %not3A : vector<784x128xi32>
    %jit3A_52 = arith.constant -1 : i32
    %broadcast_in_dim3A_53 = vector.broadcast %jit3A_52 : i32 to vector<784x128xi32>
    %select_n3A_54 = arith.select %lt3A_6, %not3A_51, %broadcast_in_dim3A_53 : vector<784x128xi1>, vector<784x128xi32>
    %bitcast_convert_type3A_55 = tpu.bitcast %sub3A_41 : vector<784x128xf32> -> vector<784x128xi32>
    %shift_right_logical3A_56 = arith.constant 31 : i32
    %shift_right_logical3A_57 = vector.broadcast %shift_right_logical3A_56 : i32 to vector<784x128xi32>
    %shift_right_logical3A_58 = arith.shrui %bitcast_convert_type3A_55, %shift_right_logical3A_57 : vector<784x128xi32>
    %eq3A_59 = arith.constant 1 : i32
    %eq3A_60 = vector.broadcast %eq3A_59 : i32 to vector<784x128xi32>
    %eq3A_61 = arith.cmpi eq, %shift_right_logical3A_58, %eq3A_60 : vector<784x128xi32>
    %jit3A_62 = arith.constant -1 : i32
    %jit3A_63 = arith.constant -2147483648 : i32
    %broadcast_in_dim3A_64 = vector.broadcast %jit3A_62 : i32 to vector<784x128xi32>
    %broadcast_in_dim3A_65 = vector.broadcast %jit3A_63 : i32 to vector<784x128xi32>
    %select_n3A_66 = arith.select %eq3A_61, %broadcast_in_dim3A_64, %broadcast_in_dim3A_65 : vector<784x128xi1>, vector<784x128xi32>
    %xor3A_67 = arith.xori %bitcast_convert_type3A_55, %select_n3A_66 : vector<784x128xi32>
    %not3A_68 = arith.constant dense<-1> : vector<784x128xi32>
    %not3A_69 = arith.xori %xor3A_67, %not3A_68 : vector<784x128xi32>
    %jit3A_70 = arith.constant -1 : i32
    %broadcast_in_dim3A_71 = vector.broadcast %jit3A_70 : i32 to vector<784x128xi32>
    %select_n3A_72 = arith.select %lt3A_6, %not3A_69, %broadcast_in_dim3A_71 : vector<784x128xi1>, vector<784x128xi32>
    %scan3A = arith.constant 0 : i32
    %scan3A_73 = arith.constant 0 : i32
    %scan3A_74 = arith.constant 16 : i32
    %scan3A_75 = arith.addi %scan3A_73, %scan3A_74 : i32
    %scan3A_76 = arith.constant 1 : i32
    %scan3A_77 = scf.for %scan3A_164 = %scan3A_73 to %scan3A_75 step %scan3A_76 iter_args(%scan3A_165 = %scan3A) -> (i32)  : i32 {
      %mul3A_166 = arith.constant 2 : i32
      %mul3A_167 = arith.muli %mul3A_166, %scan3A_164 : i32
      %sub3A_168 = arith.constant 30 : i32
      %sub3A_169 = arith.subi %sub3A_168, %mul3A_167 : i32
      %shift_left3A = arith.constant 1 : i32
      %shift_left3A_170 = arith.shli %shift_left3A, %sub3A_169 : i32
      %or3A = arith.ori %scan3A_165, %shift_left3A_170 : i32
      %add3A_171 = arith.addi %shift_left3A_170, %shift_left3A_170 : i32
      %or3A_172 = arith.ori %scan3A_165, %add3A_171 : i32
      %add3A_173 = arith.addi %shift_left3A_170, %shift_left3A_170 : i32
      %add3A_174 = arith.addi %add3A_173, %shift_left3A_170 : i32
      %or3A_175 = arith.ori %scan3A_165, %add3A_174 : i32
      %lt3A_176 = vector.broadcast %or3A : i32 to vector<784x128xi32>
      %lt3A_177 = arith.cmpi ult, %select_n3A_54, %lt3A_176 : vector<784x128xi32>
      %jit3A_178 = arith.constant 1 : i32
      %jit3A_179 = arith.constant 0 : i32
      %broadcast_in_dim3A_180 = vector.broadcast %jit3A_178 : i32 to vector<784x128xi32>
      %broadcast_in_dim3A_181 = vector.broadcast %jit3A_179 : i32 to vector<784x128xi32>
      %select_n3A_182 = arith.select %lt3A_177, %broadcast_in_dim3A_180, %broadcast_in_dim3A_181 : vector<784x128xi1>, vector<784x128xi32>
      %reduce_sum3A_183 = vector.shape_cast %select_n3A_182 : vector<784x128xi32> to vector<1x784x128xi32>
      %reduce_sum3A_184 = arith.constant dense<0> : vector<1xi32>
      %reduce_sum3A_185 = vector.multi_reduction <add>, %reduce_sum3A_183, %reduce_sum3A_184 [1, 2] : vector<1x784x128xi32> to vector<1xi32>
      %reduce_sum3A_186 = vector.shape_cast %reduce_sum3A_185 : vector<1xi32> to vector<1x1x1xi32>
      %reduce_sum3A_187 = vector.extract %reduce_sum3A_186[0, 0, 0] : i32 from vector<1x1x1xi32>
      %lt3A_188 = vector.broadcast %or3A_172 : i32 to vector<784x128xi32>
      %lt3A_189 = arith.cmpi ult, %select_n3A_54, %lt3A_188 : vector<784x128xi32>
      %jit3A_190 = arith.constant 1 : i32
      %jit3A_191 = arith.constant 0 : i32
      %broadcast_in_dim3A_192 = vector.broadcast %jit3A_190 : i32 to vector<784x128xi32>
      %broadcast_in_dim3A_193 = vector.broadcast %jit3A_191 : i32 to vector<784x128xi32>
      %select_n3A_194 = arith.select %lt3A_189, %broadcast_in_dim3A_192, %broadcast_in_dim3A_193 : vector<784x128xi1>, vector<784x128xi32>
      %reduce_sum3A_195 = vector.shape_cast %select_n3A_194 : vector<784x128xi32> to vector<1x784x128xi32>
      %reduce_sum3A_196 = arith.constant dense<0> : vector<1xi32>
      %reduce_sum3A_197 = vector.multi_reduction <add>, %reduce_sum3A_195, %reduce_sum3A_196 [1, 2] : vector<1x784x128xi32> to vector<1xi32>
      %reduce_sum3A_198 = vector.shape_cast %reduce_sum3A_197 : vector<1xi32> to vector<1x1x1xi32>
      %reduce_sum3A_199 = vector.extract %reduce_sum3A_198[0, 0, 0] : i32 from vector<1x1x1xi32>
      %lt3A_200 = vector.broadcast %or3A_175 : i32 to vector<784x128xi32>
      %lt3A_201 = arith.cmpi ult, %select_n3A_54, %lt3A_200 : vector<784x128xi32>
      %jit3A_202 = arith.constant 1 : i32
      %jit3A_203 = arith.constant 0 : i32
      %broadcast_in_dim3A_204 = vector.broadcast %jit3A_202 : i32 to vector<784x128xi32>
      %broadcast_in_dim3A_205 = vector.broadcast %jit3A_203 : i32 to vector<784x128xi32>
      %select_n3A_206 = arith.select %lt3A_201, %broadcast_in_dim3A_204, %broadcast_in_dim3A_205 : vector<784x128xi1>, vector<784x128xi32>
      %reduce_sum3A_207 = vector.shape_cast %select_n3A_206 : vector<784x128xi32> to vector<1x784x128xi32>
      %reduce_sum3A_208 = arith.constant dense<0> : vector<1xi32>
      %reduce_sum3A_209 = vector.multi_reduction <add>, %reduce_sum3A_207, %reduce_sum3A_208 [1, 2] : vector<1x784x128xi32> to vector<1xi32>
      %reduce_sum3A_210 = vector.shape_cast %reduce_sum3A_209 : vector<1xi32> to vector<1x1x1xi32>
      %reduce_sum3A_211 = vector.extract %reduce_sum3A_210[0, 0, 0] : i32 from vector<1x1x1xi32>
      %ge3A = arith.constant 1024 : i32
      %ge3A_212 = arith.cmpi sge, %reduce_sum3A_187, %ge3A : i32
      %ge3A_213 = arith.constant 1024 : i32
      %ge3A_214 = arith.cmpi sge, %reduce_sum3A_199, %ge3A_213 : i32
      %ge3A_215 = arith.constant 1024 : i32
      %ge3A_216 = arith.cmpi sge, %reduce_sum3A_211, %ge3A_215 : i32
      %select_n3A_217 = arith.select %ge3A_216, %or3A_172, %or3A_175 : i32
      %select_n3A_218 = arith.select %ge3A_214, %or3A, %select_n3A_217 : i32
      %select_n3A_219 = arith.select %ge3A_212, %scan3A_165, %select_n3A_218 : i32
      scf.yield %select_n3A_219 : i32
    }
    %scan3A_78 = arith.constant 16 : i32
    %lt3A_79 = vector.broadcast %scan3A_77 : i32 to vector<784x128xi32>
    %lt3A_80 = arith.cmpi ult, %select_n3A_54, %lt3A_79 : vector<784x128xi32>
    %jit3A_81 = arith.constant 1 : i32
    %jit3A_82 = arith.constant 0 : i32
    %broadcast_in_dim3A_83 = vector.broadcast %jit3A_81 : i32 to vector<784x128xi32>
    %broadcast_in_dim3A_84 = vector.broadcast %jit3A_82 : i32 to vector<784x128xi32>
    %select_n3A_85 = arith.select %lt3A_80, %broadcast_in_dim3A_83, %broadcast_in_dim3A_84 : vector<784x128xi1>, vector<784x128xi32>
    %reduce_sum3A_86 = vector.shape_cast %select_n3A_85 : vector<784x128xi32> to vector<1x784x128xi32>
    %reduce_sum3A_87 = arith.constant dense<0> : vector<1xi32>
    %reduce_sum3A_88 = vector.multi_reduction <add>, %reduce_sum3A_86, %reduce_sum3A_87 [1, 2] : vector<1x784x128xi32> to vector<1xi32>
    %reduce_sum3A_89 = vector.shape_cast %reduce_sum3A_88 : vector<1xi32> to vector<1x1x1xi32>
    %reduce_sum3A_90 = vector.extract %reduce_sum3A_89[0, 0, 0] : i32 from vector<1x1x1xi32>
    %scan3A_91 = arith.constant 0 : i32
    %scan3A_92 = arith.constant 0 : i32
    %scan3A_93 = arith.constant 16 : i32
    %scan3A_94 = arith.addi %scan3A_92, %scan3A_93 : i32
    %scan3A_95 = arith.constant 1 : i32
    %scan3A_96 = scf.for %scan3A_164 = %scan3A_92 to %scan3A_94 step %scan3A_95 iter_args(%scan3A_165 = %scan3A_91) -> (i32)  : i32 {
      %mul3A_166 = arith.constant 2 : i32
      %mul3A_167 = arith.muli %mul3A_166, %scan3A_164 : i32
      %sub3A_168 = arith.constant 30 : i32
      %sub3A_169 = arith.subi %sub3A_168, %mul3A_167 : i32
      %shift_left3A = arith.constant 1 : i32
      %shift_left3A_170 = arith.shli %shift_left3A, %sub3A_169 : i32
      %or3A = arith.ori %scan3A_165, %shift_left3A_170 : i32
      %add3A_171 = arith.addi %shift_left3A_170, %shift_left3A_170 : i32
      %or3A_172 = arith.ori %scan3A_165, %add3A_171 : i32
      %add3A_173 = arith.addi %shift_left3A_170, %shift_left3A_170 : i32
      %add3A_174 = arith.addi %add3A_173, %shift_left3A_170 : i32
      %or3A_175 = arith.ori %scan3A_165, %add3A_174 : i32
      %lt3A_176 = vector.broadcast %or3A : i32 to vector<784x128xi32>
      %lt3A_177 = arith.cmpi ult, %select_n3A_72, %lt3A_176 : vector<784x128xi32>
      %jit3A_178 = arith.constant 1 : i32
      %jit3A_179 = arith.constant 0 : i32
      %broadcast_in_dim3A_180 = vector.broadcast %jit3A_178 : i32 to vector<784x128xi32>
      %broadcast_in_dim3A_181 = vector.broadcast %jit3A_179 : i32 to vector<784x128xi32>
      %select_n3A_182 = arith.select %lt3A_177, %broadcast_in_dim3A_180, %broadcast_in_dim3A_181 : vector<784x128xi1>, vector<784x128xi32>
      %reduce_sum3A_183 = vector.shape_cast %select_n3A_182 : vector<784x128xi32> to vector<1x784x128xi32>
      %reduce_sum3A_184 = arith.constant dense<0> : vector<1xi32>
      %reduce_sum3A_185 = vector.multi_reduction <add>, %reduce_sum3A_183, %reduce_sum3A_184 [1, 2] : vector<1x784x128xi32> to vector<1xi32>
      %reduce_sum3A_186 = vector.shape_cast %reduce_sum3A_185 : vector<1xi32> to vector<1x1x1xi32>
      %reduce_sum3A_187 = vector.extract %reduce_sum3A_186[0, 0, 0] : i32 from vector<1x1x1xi32>
      %lt3A_188 = vector.broadcast %or3A_172 : i32 to vector<784x128xi32>
      %lt3A_189 = arith.cmpi ult, %select_n3A_72, %lt3A_188 : vector<784x128xi32>
      %jit3A_190 = arith.constant 1 : i32
      %jit3A_191 = arith.constant 0 : i32
      %broadcast_in_dim3A_192 = vector.broadcast %jit3A_190 : i32 to vector<784x128xi32>
      %broadcast_in_dim3A_193 = vector.broadcast %jit3A_191 : i32 to vector<784x128xi32>
      %select_n3A_194 = arith.select %lt3A_189, %broadcast_in_dim3A_192, %broadcast_in_dim3A_193 : vector<784x128xi1>, vector<784x128xi32>
      %reduce_sum3A_195 = vector.shape_cast %select_n3A_194 : vector<784x128xi32> to vector<1x784x128xi32>
      %reduce_sum3A_196 = arith.constant dense<0> : vector<1xi32>
      %reduce_sum3A_197 = vector.multi_reduction <add>, %reduce_sum3A_195, %reduce_sum3A_196 [1, 2] : vector<1x784x128xi32> to vector<1xi32>
      %reduce_sum3A_198 = vector.shape_cast %reduce_sum3A_197 : vector<1xi32> to vector<1x1x1xi32>
      %reduce_sum3A_199 = vector.extract %reduce_sum3A_198[0, 0, 0] : i32 from vector<1x1x1xi32>
      %lt3A_200 = vector.broadcast %or3A_175 : i32 to vector<784x128xi32>
      %lt3A_201 = arith.cmpi ult, %select_n3A_72, %lt3A_200 : vector<784x128xi32>
      %jit3A_202 = arith.constant 1 : i32
      %jit3A_203 = arith.constant 0 : i32
      %broadcast_in_dim3A_204 = vector.broadcast %jit3A_202 : i32 to vector<784x128xi32>
      %broadcast_in_dim3A_205 = vector.broadcast %jit3A_203 : i32 to vector<784x128xi32>
      %select_n3A_206 = arith.select %lt3A_201, %broadcast_in_dim3A_204, %broadcast_in_dim3A_205 : vector<784x128xi1>, vector<784x128xi32>
      %reduce_sum3A_207 = vector.shape_cast %select_n3A_206 : vector<784x128xi32> to vector<1x784x128xi32>
      %reduce_sum3A_208 = arith.constant dense<0> : vector<1xi32>
      %reduce_sum3A_209 = vector.multi_reduction <add>, %reduce_sum3A_207, %reduce_sum3A_208 [1, 2] : vector<1x784x128xi32> to vector<1xi32>
      %reduce_sum3A_210 = vector.shape_cast %reduce_sum3A_209 : vector<1xi32> to vector<1x1x1xi32>
      %reduce_sum3A_211 = vector.extract %reduce_sum3A_210[0, 0, 0] : i32 from vector<1x1x1xi32>
      %ge3A = arith.constant 1024 : i32
      %ge3A_212 = arith.cmpi sge, %reduce_sum3A_187, %ge3A : i32
      %ge3A_213 = arith.constant 1024 : i32
      %ge3A_214 = arith.cmpi sge, %reduce_sum3A_199, %ge3A_213 : i32
      %ge3A_215 = arith.constant 1024 : i32
      %ge3A_216 = arith.cmpi sge, %reduce_sum3A_211, %ge3A_215 : i32
      %select_n3A_217 = arith.select %ge3A_216, %or3A_172, %or3A_175 : i32
      %select_n3A_218 = arith.select %ge3A_214, %or3A, %select_n3A_217 : i32
      %select_n3A_219 = arith.select %ge3A_212, %scan3A_165, %select_n3A_218 : i32
      scf.yield %select_n3A_219 : i32
    }
    %scan3A_97 = arith.constant 16 : i32
    %lt3A_98 = vector.broadcast %scan3A_96 : i32 to vector<784x128xi32>
    %lt3A_99 = arith.cmpi ult, %select_n3A_72, %lt3A_98 : vector<784x128xi32>
    %jit3A_100 = arith.constant 1 : i32
    %jit3A_101 = arith.constant 0 : i32
    %broadcast_in_dim3A_102 = vector.broadcast %jit3A_100 : i32 to vector<784x128xi32>
    %broadcast_in_dim3A_103 = vector.broadcast %jit3A_101 : i32 to vector<784x128xi32>
    %select_n3A_104 = arith.select %lt3A_99, %broadcast_in_dim3A_102, %broadcast_in_dim3A_103 : vector<784x128xi1>, vector<784x128xi32>
    %reduce_sum3A_105 = vector.shape_cast %select_n3A_104 : vector<784x128xi32> to vector<1x784x128xi32>
    %reduce_sum3A_106 = arith.constant dense<0> : vector<1xi32>
    %reduce_sum3A_107 = vector.multi_reduction <add>, %reduce_sum3A_105, %reduce_sum3A_106 [1, 2] : vector<1x784x128xi32> to vector<1xi32>
    %reduce_sum3A_108 = vector.shape_cast %reduce_sum3A_107 : vector<1xi32> to vector<1x1x1xi32>
    %reduce_sum3A_109 = vector.extract %reduce_sum3A_108[0, 0, 0] : i32 from vector<1x1x1xi32>
    %xor3A_110 = arith.constant -2147483648 : i32
    %xor3A_111 = vector.broadcast %xor3A_110 : i32 to vector<784x128xi32>
    %xor3A_112 = arith.xori %select_n3A_54, %xor3A_111 : vector<784x128xi32>
    %bitcast_convert_type3A_113 = tpu.bitcast %xor3A_112 : vector<784x128xi32> -> vector<784x128xi32>
    %swap3A = arith.constant 0 : index
    %swap3A_114 = arith.constant 0 : index
    %swap3A_115 = vector.load %arg3[%swap3A, %swap3A_114] : memref<784x128xi32, #tpu.memory_space<vmem>>, vector<784x128xi32>
    tpu.vector_store %arg3[%swap3A, %swap3A_114], %bitcast_convert_type3A_113 {strides = array<i32>} : memref<784x128xi32, #tpu.memory_space<vmem>>, vector<784x128xi32>,
    %xor3A_116 = arith.constant -2147483648 : i32
    %xor3A_117 = vector.broadcast %xor3A_116 : i32 to vector<784x128xi32>
    %xor3A_118 = arith.xori %select_n3A_72, %xor3A_117 : vector<784x128xi32>
    %bitcast_convert_type3A_119 = tpu.bitcast %xor3A_118 : vector<784x128xi32> -> vector<784x128xi32>
    %swap3A_120 = arith.constant 0 : index
    %swap3A_121 = arith.constant 0 : index
    %swap3A_122 = vector.load %arg4[%swap3A_120, %swap3A_121] : memref<784x128xi32, #tpu.memory_space<vmem>>, vector<784x128xi32>
    tpu.vector_store %arg4[%swap3A_120, %swap3A_121], %bitcast_convert_type3A_119 {strides = array<i32>} : memref<784x128xi32, #tpu.memory_space<vmem>>, vector<784x128xi32>,
    %xor3A_123 = arith.constant -2147483648 : i32
    %xor3A_124 = arith.xori %scan3A_77, %xor3A_123 : i32
    %bitcast_convert_type3A_125 = arith.bitcast %xor3A_124 : i32 to i32
    %xor3A_126 = arith.constant -2147483648 : i32
    %xor3A_127 = arith.xori %scan3A_96, %xor3A_126 : i32
    %bitcast_convert_type3A_128 = arith.bitcast %xor3A_127 : i32 to i32
    %iota3A_129 = tpu.iota {dimensions = array<i32: 1>} : vector<1x128xi32>
    %eq3A_130 = arith.constant 0 : i32
    %eq3A_131 = vector.broadcast %eq3A_130 : i32 to vector<1x128xi32>
    %eq3A_132 = arith.cmpi eq, %iota3A_129, %eq3A_131 : vector<1x128xi32>
    %jit3A_133 = arith.constant 0 : i32
    %broadcast_in_dim3A_134 = vector.broadcast %bitcast_convert_type3A_125 : i32 to vector<1x128xi32>
    %broadcast_in_dim3A_135 = vector.broadcast %jit3A_133 : i32 to vector<1x128xi32>
    %select_n3A_136 = arith.select %eq3A_132, %broadcast_in_dim3A_134, %broadcast_in_dim3A_135 : vector<1x128xi1>, vector<1x128xi32>
    %eq3A_137 = arith.constant 1 : i32
    %eq3A_138 = vector.broadcast %eq3A_137 : i32 to vector<1x128xi32>
    %eq3A_139 = arith.cmpi eq, %iota3A_129, %eq3A_138 : vector<1x128xi32>
    %jit3A_140 = arith.constant 0 : i32
    %broadcast_in_dim3A_141 = vector.broadcast %reduce_sum3A_90 : i32 to vector<1x128xi32>
    %broadcast_in_dim3A_142 = vector.broadcast %jit3A_140 : i32 to vector<1x128xi32>
    %select_n3A_143 = arith.select %eq3A_139, %broadcast_in_dim3A_141, %broadcast_in_dim3A_142 : vector<1x128xi1>, vector<1x128xi32>
    %add3A_144 = arith.addi %select_n3A_136, %select_n3A_143 : vector<1x128xi32>
    %eq3A_145 = arith.constant 2 : i32
    %eq3A_146 = vector.broadcast %eq3A_145 : i32 to vector<1x128xi32>
    %eq3A_147 = arith.cmpi eq, %iota3A_129, %eq3A_146 : vector<1x128xi32>
    %jit3A_148 = arith.constant 0 : i32
    %broadcast_in_dim3A_149 = vector.broadcast %bitcast_convert_type3A_128 : i32 to vector<1x128xi32>
    %broadcast_in_dim3A_150 = vector.broadcast %jit3A_148 : i32 to vector<1x128xi32>
    %select_n3A_151 = arith.select %eq3A_147, %broadcast_in_dim3A_149, %broadcast_in_dim3A_150 : vector<1x128xi1>, vector<1x128xi32>
    %add3A_152 = arith.addi %add3A_144, %select_n3A_151 : vector<1x128xi32>
    %eq3A_153 = arith.constant 3 : i32
    %eq3A_154 = vector.broadcast %eq3A_153 : i32 to vector<1x128xi32>
    %eq3A_155 = arith.cmpi eq, %iota3A_129, %eq3A_154 : vector<1x128xi32>
    %jit3A_156 = arith.constant 0 : i32
    %broadcast_in_dim3A_157 = vector.broadcast %reduce_sum3A_109 : i32 to vector<1x128xi32>
    %broadcast_in_dim3A_158 = vector.broadcast %jit3A_156 : i32 to vector<1x128xi32>
    %select_n3A_159 = arith.select %eq3A_155, %broadcast_in_dim3A_157, %broadcast_in_dim3A_158 : vector<1x128xi1>, vector<1x128xi32>
    %add3A_160 = arith.addi %add3A_152, %select_n3A_159 : vector<1x128xi32>
    %swap3A_161 = arith.constant 0 : index
    %swap3A_162 = arith.constant 0 : index
    %swap3A_163 = vector.load %arg5[%swap3A_161, %swap3A_162] : memref<1x128xi32, #tpu.memory_space<vmem>>, vector<1x128xi32>
    tpu.vector_store %arg5[%swap3A_161, %swap3A_162], %add3A_160 {strides = array<i32>} : memref<1x128xi32, #tpu.memory_space<vmem>>, vector<1x128xi32>,
    return
  }
}

module attributes {stable_mosaic.version = 14 : i64} {
  func.func @_topk_mean_kernel(%arg0: memref<2x1024x128xf32, #tpu.memory_space<vmem>>, %arg1: memref<2x1024x1xf32, #tpu.memory_space<vmem>>, %arg2: memref<1x1xf32, #tpu.memory_space<vmem>>) attributes {dimension_semantics = [], scalar_prefetch = 0 : i64, scratch_operands = 0 : i64, tpu.core_type = #tpu.core_type<tc>} {
    %get3A = arith.constant 0 : index
    %get3A_0 = arith.constant 0 : index
    %get3A_1 = arith.constant 0 : index
    %get3A_2 = vector.load %arg0[%get3A, %get3A_0, %get3A_1] : memref<2x1024x128xf32, #tpu.memory_space<vmem>>, vector<1x1024x128xf32>
    %get3A_3 = vector.shape_cast %get3A_2 : vector<1x1024x128xf32> to vector<1024x128xf32>
    %get3A_4 = arith.constant 1 : index
    %get3A_5 = arith.constant 0 : index
    %get3A_6 = arith.constant 0 : index
    %get3A_7 = vector.load %arg0[%get3A_4, %get3A_5, %get3A_6] : memref<2x1024x128xf32, #tpu.memory_space<vmem>>, vector<1x1024x128xf32>
    %get3A_8 = vector.shape_cast %get3A_7 : vector<1x1024x128xf32> to vector<1024x128xf32>
    %get3A_9 = arith.constant 0 : index
    %get3A_10 = arith.constant 0 : index
    %get3A_11 = arith.constant 0 : index
    %get3A_12 = vector.load %arg1[%get3A_9, %get3A_10, %get3A_11] : memref<2x1024x1xf32, #tpu.memory_space<vmem>>, vector<1x1024x1xf32>
    %get3A_13 = vector.shape_cast %get3A_12 : vector<1x1024x1xf32> to vector<1024x1xf32>
    %get3A_14 = arith.constant 1 : index
    %get3A_15 = arith.constant 0 : index
    %get3A_16 = arith.constant 0 : index
    %get3A_17 = vector.load %arg1[%get3A_14, %get3A_15, %get3A_16] : memref<2x1024x1xf32, #tpu.memory_space<vmem>>, vector<1x1024x1xf32>
    %get3A_18 = vector.shape_cast %get3A_17 : vector<1x1024x1xf32> to vector<1024x1xf32>
    %gt3A = arith.constant 5.000000e-01 : f32
    %gt3A_19 = vector.broadcast %gt3A : f32 to vector<1024x1xf32>
    %gt3A_20 = arith.cmpf ogt, %get3A_13, %gt3A_19 : vector<1024x1xf32>
    %slice3A = vector.extract_strided_slice %get3A_3 {offsets = [0, 64], sizes = [1024, 64], strides = [1, 1]} : vector<1024x128xf32> to vector<1024x64xf32>
    %slice3A_21 = vector.extract_strided_slice %get3A_3 {offsets = [0, 0], sizes = [1024, 64], strides = [1, 1]} : vector<1024x128xf32> to vector<1024x64xf32>
    %broadcast_in_dim3A = vector.shape_cast %gt3A_20 : vector<1024x1xi1> to vector<1024x1xi1>
    %broadcast_in_dim3A_22 = vector.broadcast %broadcast_in_dim3A : vector<1024x1xi1> to vector<1024x64xi1>
    %select_n3A = arith.select %broadcast_in_dim3A_22, %slice3A, %slice3A_21 : vector<1024x64xi1>, vector<1024x64xf32>
    %gt3A_23 = arith.constant 5.000000e-01 : f32
    %gt3A_24 = vector.broadcast %gt3A_23 : f32 to vector<1024x1xf32>
    %gt3A_25 = arith.cmpf ogt, %get3A_18, %gt3A_24 : vector<1024x1xf32>
    %slice3A_26 = vector.extract_strided_slice %get3A_8 {offsets = [0, 64], sizes = [1024, 64], strides = [1, 1]} : vector<1024x128xf32> to vector<1024x64xf32>
    %slice3A_27 = vector.extract_strided_slice %get3A_8 {offsets = [0, 0], sizes = [1024, 64], strides = [1, 1]} : vector<1024x128xf32> to vector<1024x64xf32>
    %broadcast_in_dim3A_28 = vector.shape_cast %gt3A_25 : vector<1024x1xi1> to vector<1024x1xi1>
    %broadcast_in_dim3A_29 = vector.broadcast %broadcast_in_dim3A_28 : vector<1024x1xi1> to vector<1024x64xi1>
    %select_n3A_30 = arith.select %broadcast_in_dim3A_29, %slice3A_26, %slice3A_27 : vector<1024x64xi1>, vector<1024x64xf32>
    %mul3A = arith.mulf %select_n3A, %select_n3A : vector<1024x64xf32>
    %reduce_sum3A = arith.constant dense<0.000000e+00> : vector<1024xf32>
    %reduce_sum3A_31 = vector.multi_reduction <add>, %mul3A, %reduce_sum3A [1] : vector<1024x64xf32> to vector<1024xf32>
    %broadcast_in_dim3A_32 = vector.shape_cast %reduce_sum3A_31 : vector<1024xf32> to vector<1024x1xf32>
    %mul3A_33 = arith.mulf %select_n3A_30, %select_n3A_30 : vector<1024x64xf32>
    %reduce_sum3A_34 = arith.constant dense<0.000000e+00> : vector<1024xf32>
    %reduce_sum3A_35 = vector.multi_reduction <add>, %mul3A_33, %reduce_sum3A_34 [1] : vector<1024x64xf32> to vector<1024xf32>
    %broadcast_in_dim3A_36 = vector.shape_cast %reduce_sum3A_35 : vector<1024xf32> to vector<1024x1xf32>
    %reshape3A = vector.shape_cast %broadcast_in_dim3A_36 : vector<1024x1xf32> to vector<1x1024xf32>
    %dot_general3A = arith.constant dense<0.000000e+00> : vector<1024x1024xf32>
    %dot_general3A_37 = tpu.matmul %select_n3A, %select_n3A_30, %dot_general3A {dimension_numbers = #tpu.dot_dimension_numbers<[1], [1], [0], [0], [0, 0, 1, 0], [], []>, transpose_lhs_hint = false} : vector<1024x64xf32>, vector<1024x64xf32>, vector<1024x1024xf32> -> vector<1024x1024xf32>
    %add3A = vector.broadcast %broadcast_in_dim3A_32 : vector<1024x1xf32> to vector<1024x1024xf32>
    %add3A_38 = vector.broadcast %reshape3A : vector<1x1024xf32> to vector<1024x1024xf32>
    %add3A_39 = arith.addf %add3A, %add3A_38 : vector<1024x1024xf32>
    %mul3A_40 = arith.constant 2.000000e+00 : f32
    %mul3A_41 = vector.broadcast %mul3A_40 : f32 to vector<1024x1024xf32>
    %mul3A_42 = arith.mulf %mul3A_41, %dot_general3A_37 : vector<1024x1024xf32>
    %sub3A = arith.subf %add3A_39, %mul3A_42 : vector<1024x1024xf32>
    %max3A = arith.constant 0.000000e+00 : f32
    %max3A_43 = vector.broadcast %max3A : f32 to vector<1024x1024xf32>
    %max3A_44 = arith.maximumf %sub3A, %max3A_43 : vector<1024x1024xf32>
    %reduce_max3A = arith.constant dense<0xFF800000> : vector<1024xf32>
    %reduce_max3A_45 = vector.multi_reduction <maximumf>, %max3A_44, %reduce_max3A [1] : vector<1024x1024xf32> to vector<1024xf32>
    %broadcast_in_dim3A_46 = vector.shape_cast %reduce_max3A_45 : vector<1024xf32> to vector<1024x1xf32>
    %reshape3A_47 = vector.shape_cast %broadcast_in_dim3A_46 : vector<1024x1xf32> to vector<1x1024xf32>
    %bitcast_convert_type3A = tpu.bitcast %reshape3A_47 : vector<1x1024xf32> -> vector<1x1024xi32>
    %and3A = arith.constant 2147483647 : i32
    %and3A_48 = vector.broadcast %and3A : i32 to vector<1x1024xi32>
    %and3A_49 = arith.andi %bitcast_convert_type3A, %and3A_48 : vector<1x1024xi32>
    %not3A = arith.constant dense<-1> : vector<1x1024xi32>
    %not3A_50 = arith.xori %and3A_49, %not3A : vector<1x1024xi32>
    %scan3A = arith.constant 0 : i32
    %scan3A_51 = arith.constant 0 : i32
    %scan3A_52 = arith.constant 16 : i32
    %scan3A_53 = arith.addi %scan3A_51, %scan3A_52 : i32
    %scan3A_54 = arith.constant 1 : i32
    %scan3A_55 = scf.for %scan3A_181 = %scan3A_51 to %scan3A_53 step %scan3A_54 iter_args(%scan3A_182 = %scan3A) -> (i32)  : i32 {
      %mul3A_183 = arith.constant 2 : i32
      %mul3A_184 = arith.muli %mul3A_183, %scan3A_181 : i32
      %sub3A_185 = arith.constant 30 : i32
      %sub3A_186 = arith.subi %sub3A_185, %mul3A_184 : i32
      %shift_left3A = arith.constant 1 : i32
      %shift_left3A_187 = arith.shli %shift_left3A, %sub3A_186 : i32
      %or3A = arith.ori %scan3A_182, %shift_left3A_187 : i32
      %add3A_188 = arith.addi %shift_left3A_187, %shift_left3A_187 : i32
      %or3A_189 = arith.ori %scan3A_182, %add3A_188 : i32
      %add3A_190 = arith.addi %shift_left3A_187, %shift_left3A_187 : i32
      %add3A_191 = arith.addi %add3A_190, %shift_left3A_187 : i32
      %or3A_192 = arith.ori %scan3A_182, %add3A_191 : i32
      %lt3A_193 = vector.broadcast %or3A : i32 to vector<1x1024xi32>
      %lt3A_194 = arith.cmpi ult, %not3A_50, %lt3A_193 : vector<1x1024xi32>
      %jit3A_195 = arith.constant 1 : i32
      %jit3A_196 = arith.constant 0 : i32
      %broadcast_in_dim3A_197 = vector.broadcast %jit3A_195 : i32 to vector<1x1024xi32>
      %broadcast_in_dim3A_198 = vector.broadcast %jit3A_196 : i32 to vector<1x1024xi32>
      %select_n3A_199 = arith.select %lt3A_194, %broadcast_in_dim3A_197, %broadcast_in_dim3A_198 : vector<1x1024xi1>, vector<1x1024xi32>
      %reduce_sum3A_200 = vector.shape_cast %select_n3A_199 : vector<1x1024xi32> to vector<1x1x1024xi32>
      %reduce_sum3A_201 = arith.constant dense<0> : vector<1xi32>
      %reduce_sum3A_202 = vector.multi_reduction <add>, %reduce_sum3A_200, %reduce_sum3A_201 [1, 2] : vector<1x1x1024xi32> to vector<1xi32>
      %reduce_sum3A_203 = vector.shape_cast %reduce_sum3A_202 : vector<1xi32> to vector<1x1x1xi32>
      %reduce_sum3A_204 = vector.extract %reduce_sum3A_203[0, 0, 0] : i32 from vector<1x1x1xi32>
      %lt3A_205 = vector.broadcast %or3A_189 : i32 to vector<1x1024xi32>
      %lt3A_206 = arith.cmpi ult, %not3A_50, %lt3A_205 : vector<1x1024xi32>
      %jit3A_207 = arith.constant 1 : i32
      %jit3A_208 = arith.constant 0 : i32
      %broadcast_in_dim3A_209 = vector.broadcast %jit3A_207 : i32 to vector<1x1024xi32>
      %broadcast_in_dim3A_210 = vector.broadcast %jit3A_208 : i32 to vector<1x1024xi32>
      %select_n3A_211 = arith.select %lt3A_206, %broadcast_in_dim3A_209, %broadcast_in_dim3A_210 : vector<1x1024xi1>, vector<1x1024xi32>
      %reduce_sum3A_212 = vector.shape_cast %select_n3A_211 : vector<1x1024xi32> to vector<1x1x1024xi32>
      %reduce_sum3A_213 = arith.constant dense<0> : vector<1xi32>
      %reduce_sum3A_214 = vector.multi_reduction <add>, %reduce_sum3A_212, %reduce_sum3A_213 [1, 2] : vector<1x1x1024xi32> to vector<1xi32>
      %reduce_sum3A_215 = vector.shape_cast %reduce_sum3A_214 : vector<1xi32> to vector<1x1x1xi32>
      %reduce_sum3A_216 = vector.extract %reduce_sum3A_215[0, 0, 0] : i32 from vector<1x1x1xi32>
      %lt3A_217 = vector.broadcast %or3A_192 : i32 to vector<1x1024xi32>
      %lt3A_218 = arith.cmpi ult, %not3A_50, %lt3A_217 : vector<1x1024xi32>
      %jit3A_219 = arith.constant 1 : i32
      %jit3A_220 = arith.constant 0 : i32
      %broadcast_in_dim3A_221 = vector.broadcast %jit3A_219 : i32 to vector<1x1024xi32>
      %broadcast_in_dim3A_222 = vector.broadcast %jit3A_220 : i32 to vector<1x1024xi32>
      %select_n3A_223 = arith.select %lt3A_218, %broadcast_in_dim3A_221, %broadcast_in_dim3A_222 : vector<1x1024xi1>, vector<1x1024xi32>
      %reduce_sum3A_224 = vector.shape_cast %select_n3A_223 : vector<1x1024xi32> to vector<1x1x1024xi32>
      %reduce_sum3A_225 = arith.constant dense<0> : vector<1xi32>
      %reduce_sum3A_226 = vector.multi_reduction <add>, %reduce_sum3A_224, %reduce_sum3A_225 [1, 2] : vector<1x1x1024xi32> to vector<1xi32>
      %reduce_sum3A_227 = vector.shape_cast %reduce_sum3A_226 : vector<1xi32> to vector<1x1x1xi32>
      %reduce_sum3A_228 = vector.extract %reduce_sum3A_227[0, 0, 0] : i32 from vector<1x1x1xi32>
      %ge3A_229 = arith.constant 256 : i32
      %ge3A_230 = arith.cmpi sge, %reduce_sum3A_204, %ge3A_229 : i32
      %ge3A_231 = arith.constant 256 : i32
      %ge3A_232 = arith.cmpi sge, %reduce_sum3A_216, %ge3A_231 : i32
      %ge3A_233 = arith.constant 256 : i32
      %ge3A_234 = arith.cmpi sge, %reduce_sum3A_228, %ge3A_233 : i32
      %select_n3A_235 = arith.select %ge3A_234, %or3A_189, %or3A_192 : i32
      %select_n3A_236 = arith.select %ge3A_232, %or3A, %select_n3A_235 : i32
      %select_n3A_237 = arith.select %ge3A_230, %scan3A_182, %select_n3A_236 : i32
      scf.yield %select_n3A_237 : i32
    }
    %scan3A_56 = arith.constant 16 : i32
    %lt3A = vector.broadcast %scan3A_55 : i32 to vector<1x1024xi32>
    %lt3A_57 = arith.cmpi ult, %not3A_50, %lt3A : vector<1x1024xi32>
    %jit3A = arith.constant 1.000000e+00 : f32
    %jit3A_58 = arith.constant 0.000000e+00 : f32
    %broadcast_in_dim3A_59 = vector.broadcast %jit3A : f32 to vector<1x1024xf32>
    %broadcast_in_dim3A_60 = vector.broadcast %jit3A_58 : f32 to vector<1x1024xf32>
    %select_n3A_61 = arith.select %lt3A_57, %broadcast_in_dim3A_59, %broadcast_in_dim3A_60 : vector<1x1024xi1>, vector<1x1024xf32>
    %iota3A = tpu.iota {dimensions = array<i32: 0>} : vector<1024x1024xi32>
    %iota3A_62 = tpu.iota {dimensions = array<i32: 1>} : vector<1024x1024xi32>
    %le3A = arith.cmpi sle, %iota3A, %iota3A_62 : vector<1024x1024xi32>
    %jit3A_63 = arith.constant 1.000000e+00 : f32
    %jit3A_64 = arith.constant 0.000000e+00 : f32
    %broadcast_in_dim3A_65 = vector.broadcast %jit3A_63 : f32 to vector<1024x1024xf32>
    %broadcast_in_dim3A_66 = vector.broadcast %jit3A_64 : f32 to vector<1024x1024xf32>
    %select_n3A_67 = arith.select %le3A, %broadcast_in_dim3A_65, %broadcast_in_dim3A_66 : vector<1024x1024xi1>, vector<1024x1024xf32>
    %dot_general3A_68 = arith.constant dense<0.000000e+00> : vector<1x1024xf32>
    %dot_general3A_69 = tpu.matmul %select_n3A_61, %select_n3A_67, %dot_general3A_68 {dimension_numbers = #tpu.dot_dimension_numbers<[1], [0], [0], [1], [0, 0, 1, 1], [], []>, transpose_lhs_hint = false} : vector<1x1024xf32>, vector<1024x1024xf32>, vector<1x1024xf32> -> vector<1x1024xf32>
    %reduce_sum3A_70 = vector.shape_cast %select_n3A_61 : vector<1x1024xf32> to vector<1x1x1024xf32>
    %reduce_sum3A_71 = arith.constant dense<0.000000e+00> : vector<1xf32>
    %reduce_sum3A_72 = vector.multi_reduction <add>, %reduce_sum3A_70, %reduce_sum3A_71 [1, 2] : vector<1x1x1024xf32> to vector<1xf32>
    %reduce_sum3A_73 = vector.shape_cast %reduce_sum3A_72 : vector<1xf32> to vector<1x1x1xf32>
    %reduce_sum3A_74 = vector.extract %reduce_sum3A_73[0, 0, 0] : f32 from vector<1x1x1xf32>
    %iota3A_75 = tpu.iota {dimensions = array<i32: 0>} : vector<256x1024xi32>
    %convert_element_type3A = arith.sitofp %iota3A_75 : vector<256x1024xi32> to vector<256x1024xf32>
    %sub3A_76 = arith.constant 1.000000e+00 : f32
    %sub3A_77 = vector.broadcast %sub3A_76 : f32 to vector<1x1024xf32>
    %sub3A_78 = arith.subf %dot_general3A_69, %sub3A_77 : vector<1x1024xf32>
    %eq3A = vector.broadcast %sub3A_78 : vector<1x1024xf32> to vector<256x1024xf32>
    %eq3A_79 = arith.cmpf oeq, %eq3A, %convert_element_type3A : vector<256x1024xf32>
    %and3A_80 = vector.broadcast %lt3A_57 : vector<1x1024xi1> to vector<256x1024xi1>
    %and3A_81 = arith.andi %eq3A_79, %and3A_80 : vector<256x1024xi1>
    %jit3A_82 = arith.constant 1.000000e+00 : f32
    %jit3A_83 = arith.constant 0.000000e+00 : f32
    %broadcast_in_dim3A_84 = vector.broadcast %jit3A_82 : f32 to vector<256x1024xf32>
    %broadcast_in_dim3A_85 = vector.broadcast %jit3A_83 : f32 to vector<256x1024xf32>
    %select_n3A_86 = arith.select %and3A_81, %broadcast_in_dim3A_84, %broadcast_in_dim3A_85 : vector<256x1024xi1>, vector<256x1024xf32>
    %dot_general3A_87 = arith.constant dense<0.000000e+00> : vector<256x64xf32>
    %dot_general3A_88 = tpu.matmul %select_n3A_86, %select_n3A, %dot_general3A_87 {dimension_numbers = #tpu.dot_dimension_numbers<[1], [0], [0], [1], [0, 0, 1, 1], [], []>, transpose_lhs_hint = false} : vector<256x1024xf32>, vector<1024x64xf32>, vector<256x64xf32> -> vector<256x64xf32>
    %dot_general3A_89 = arith.constant dense<0.000000e+00> : vector<256x1xf32>
    %dot_general3A_90 = tpu.matmul %select_n3A_86, %broadcast_in_dim3A_32, %dot_general3A_89 {dimension_numbers = #tpu.dot_dimension_numbers<[1], [0], [0], [1], [0, 0, 1, 1], [], []>, transpose_lhs_hint = false} : vector<256x1024xf32>, vector<1024x1xf32>, vector<256x1xf32> -> vector<256x1xf32>
    %dot_general3A_91 = arith.constant dense<0.000000e+00> : vector<256x1024xf32>
    %dot_general3A_92 = tpu.matmul %dot_general3A_88, %select_n3A_30, %dot_general3A_91 {dimension_numbers = #tpu.dot_dimension_numbers<[1], [1], [0], [0], [0, 0, 1, 0], [], []>, transpose_lhs_hint = false} : vector<256x64xf32>, vector<1024x64xf32>, vector<256x1024xf32> -> vector<256x1024xf32>
    %iota3A_93 = tpu.iota {dimensions = array<i32: 0>} : vector<256x1xi32>
    %convert_element_type3A_94 = arith.sitofp %iota3A_93 : vector<256x1xi32> to vector<256x1xf32>
    %lt3A_95 = vector.broadcast %reduce_sum3A_74 : f32 to vector<256x1xf32>
    %lt3A_96 = arith.cmpf olt, %convert_element_type3A_94, %lt3A_95 : vector<256x1xf32>
    %add3A_97 = vector.broadcast %dot_general3A_90 : vector<256x1xf32> to vector<256x1024xf32>
    %add3A_98 = vector.broadcast %reshape3A : vector<1x1024xf32> to vector<256x1024xf32>
    %add3A_99 = arith.addf %add3A_97, %add3A_98 : vector<256x1024xf32>
    %mul3A_100 = arith.constant 2.000000e+00 : f32
    %mul3A_101 = vector.broadcast %mul3A_100 : f32 to vector<256x1024xf32>
    %mul3A_102 = arith.mulf %mul3A_101, %dot_general3A_92 : vector<256x1024xf32>
    %sub3A_103 = arith.subf %add3A_99, %mul3A_102 : vector<256x1024xf32>
    %max3A_104 = arith.constant 0.000000e+00 : f32
    %max3A_105 = vector.broadcast %max3A_104 : f32 to vector<256x1024xf32>
    %max3A_106 = arith.maximumf %sub3A_103, %max3A_105 : vector<256x1024xf32>
    %jit3A_107 = arith.constant 0.000000e+00 : f32
    %broadcast_in_dim3A_108 = vector.shape_cast %lt3A_96 : vector<256x1xi1> to vector<256x1xi1>
    %broadcast_in_dim3A_109 = vector.broadcast %broadcast_in_dim3A_108 : vector<256x1xi1> to vector<256x1024xi1>
    %broadcast_in_dim3A_110 = vector.broadcast %jit3A_107 : f32 to vector<256x1024xf32>
    %select_n3A_111 = arith.select %broadcast_in_dim3A_109, %max3A_106, %broadcast_in_dim3A_110 : vector<256x1024xi1>, vector<256x1024xf32>
    %bitcast_convert_type3A_112 = tpu.bitcast %select_n3A_111 : vector<256x1024xf32> -> vector<256x1024xi32>
    %and3A_113 = arith.constant 2147483647 : i32
    %and3A_114 = vector.broadcast %and3A_113 : i32 to vector<256x1024xi32>
    %and3A_115 = arith.andi %bitcast_convert_type3A_112, %and3A_114 : vector<256x1024xi32>
    %not3A_116 = arith.constant dense<-1> : vector<256x1024xi32>
    %not3A_117 = arith.xori %and3A_115, %not3A_116 : vector<256x1024xi32>
    %scan3A_118 = arith.constant 0 : i32
    %scan3A_119 = arith.constant 0 : i32
    %scan3A_120 = arith.constant 16 : i32
    %scan3A_121 = arith.addi %scan3A_119, %scan3A_120 : i32
    %scan3A_122 = arith.constant 1 : i32
    %scan3A_123 = scf.for %scan3A_181 = %scan3A_119 to %scan3A_121 step %scan3A_122 iter_args(%scan3A_182 = %scan3A_118) -> (i32)  : i32 {
      %mul3A_183 = arith.constant 2 : i32
      %mul3A_184 = arith.muli %mul3A_183, %scan3A_181 : i32
      %sub3A_185 = arith.constant 30 : i32
      %sub3A_186 = arith.subi %sub3A_185, %mul3A_184 : i32
      %shift_left3A = arith.constant 1 : i32
      %shift_left3A_187 = arith.shli %shift_left3A, %sub3A_186 : i32
      %or3A = arith.ori %scan3A_182, %shift_left3A_187 : i32
      %add3A_188 = arith.addi %shift_left3A_187, %shift_left3A_187 : i32
      %or3A_189 = arith.ori %scan3A_182, %add3A_188 : i32
      %add3A_190 = arith.addi %shift_left3A_187, %shift_left3A_187 : i32
      %add3A_191 = arith.addi %add3A_190, %shift_left3A_187 : i32
      %or3A_192 = arith.ori %scan3A_182, %add3A_191 : i32
      %lt3A_193 = vector.broadcast %or3A : i32 to vector<256x1024xi32>
      %lt3A_194 = arith.cmpi ult, %not3A_117, %lt3A_193 : vector<256x1024xi32>
      %jit3A_195 = arith.constant 1 : i32
      %jit3A_196 = arith.constant 0 : i32
      %broadcast_in_dim3A_197 = vector.broadcast %jit3A_195 : i32 to vector<256x1024xi32>
      %broadcast_in_dim3A_198 = vector.broadcast %jit3A_196 : i32 to vector<256x1024xi32>
      %select_n3A_199 = arith.select %lt3A_194, %broadcast_in_dim3A_197, %broadcast_in_dim3A_198 : vector<256x1024xi1>, vector<256x1024xi32>
      %reduce_sum3A_200 = vector.shape_cast %select_n3A_199 : vector<256x1024xi32> to vector<1x256x1024xi32>
      %reduce_sum3A_201 = arith.constant dense<0> : vector<1xi32>
      %reduce_sum3A_202 = vector.multi_reduction <add>, %reduce_sum3A_200, %reduce_sum3A_201 [1, 2] : vector<1x256x1024xi32> to vector<1xi32>
      %reduce_sum3A_203 = vector.shape_cast %reduce_sum3A_202 : vector<1xi32> to vector<1x1x1xi32>
      %reduce_sum3A_204 = vector.extract %reduce_sum3A_203[0, 0, 0] : i32 from vector<1x1x1xi32>
      %lt3A_205 = vector.broadcast %or3A_189 : i32 to vector<256x1024xi32>
      %lt3A_206 = arith.cmpi ult, %not3A_117, %lt3A_205 : vector<256x1024xi32>
      %jit3A_207 = arith.constant 1 : i32
      %jit3A_208 = arith.constant 0 : i32
      %broadcast_in_dim3A_209 = vector.broadcast %jit3A_207 : i32 to vector<256x1024xi32>
      %broadcast_in_dim3A_210 = vector.broadcast %jit3A_208 : i32 to vector<256x1024xi32>
      %select_n3A_211 = arith.select %lt3A_206, %broadcast_in_dim3A_209, %broadcast_in_dim3A_210 : vector<256x1024xi1>, vector<256x1024xi32>
      %reduce_sum3A_212 = vector.shape_cast %select_n3A_211 : vector<256x1024xi32> to vector<1x256x1024xi32>
      %reduce_sum3A_213 = arith.constant dense<0> : vector<1xi32>
      %reduce_sum3A_214 = vector.multi_reduction <add>, %reduce_sum3A_212, %reduce_sum3A_213 [1, 2] : vector<1x256x1024xi32> to vector<1xi32>
      %reduce_sum3A_215 = vector.shape_cast %reduce_sum3A_214 : vector<1xi32> to vector<1x1x1xi32>
      %reduce_sum3A_216 = vector.extract %reduce_sum3A_215[0, 0, 0] : i32 from vector<1x1x1xi32>
      %lt3A_217 = vector.broadcast %or3A_192 : i32 to vector<256x1024xi32>
      %lt3A_218 = arith.cmpi ult, %not3A_117, %lt3A_217 : vector<256x1024xi32>
      %jit3A_219 = arith.constant 1 : i32
      %jit3A_220 = arith.constant 0 : i32
      %broadcast_in_dim3A_221 = vector.broadcast %jit3A_219 : i32 to vector<256x1024xi32>
      %broadcast_in_dim3A_222 = vector.broadcast %jit3A_220 : i32 to vector<256x1024xi32>
      %select_n3A_223 = arith.select %lt3A_218, %broadcast_in_dim3A_221, %broadcast_in_dim3A_222 : vector<256x1024xi1>, vector<256x1024xi32>
      %reduce_sum3A_224 = vector.shape_cast %select_n3A_223 : vector<256x1024xi32> to vector<1x256x1024xi32>
      %reduce_sum3A_225 = arith.constant dense<0> : vector<1xi32>
      %reduce_sum3A_226 = vector.multi_reduction <add>, %reduce_sum3A_224, %reduce_sum3A_225 [1, 2] : vector<1x256x1024xi32> to vector<1xi32>
      %reduce_sum3A_227 = vector.shape_cast %reduce_sum3A_226 : vector<1xi32> to vector<1x1x1xi32>
      %reduce_sum3A_228 = vector.extract %reduce_sum3A_227[0, 0, 0] : i32 from vector<1x1x1xi32>
      %ge3A_229 = arith.constant 256 : i32
      %ge3A_230 = arith.cmpi sge, %reduce_sum3A_204, %ge3A_229 : i32
      %ge3A_231 = arith.constant 256 : i32
      %ge3A_232 = arith.cmpi sge, %reduce_sum3A_216, %ge3A_231 : i32
      %ge3A_233 = arith.constant 256 : i32
      %ge3A_234 = arith.cmpi sge, %reduce_sum3A_228, %ge3A_233 : i32
      %select_n3A_235 = arith.select %ge3A_234, %or3A_189, %or3A_192 : i32
      %select_n3A_236 = arith.select %ge3A_232, %or3A, %select_n3A_235 : i32
      %select_n3A_237 = arith.select %ge3A_230, %scan3A_182, %select_n3A_236 : i32
      scf.yield %select_n3A_237 : i32
    }
    %scan3A_124 = arith.constant 16 : i32
    %lt3A_125 = vector.broadcast %scan3A_123 : i32 to vector<256x1024xi32>
    %lt3A_126 = arith.cmpi ult, %not3A_117, %lt3A_125 : vector<256x1024xi32>
    %jit3A_127 = arith.constant 1 : i32
    %jit3A_128 = arith.constant 0 : i32
    %broadcast_in_dim3A_129 = vector.broadcast %jit3A_127 : i32 to vector<256x1024xi32>
    %broadcast_in_dim3A_130 = vector.broadcast %jit3A_128 : i32 to vector<256x1024xi32>
    %select_n3A_131 = arith.select %lt3A_126, %broadcast_in_dim3A_129, %broadcast_in_dim3A_130 : vector<256x1024xi1>, vector<256x1024xi32>
    %reduce_sum3A_132 = vector.shape_cast %select_n3A_131 : vector<256x1024xi32> to vector<1x256x1024xi32>
    %reduce_sum3A_133 = arith.constant dense<0> : vector<1xi32>
    %reduce_sum3A_134 = vector.multi_reduction <add>, %reduce_sum3A_132, %reduce_sum3A_133 [1, 2] : vector<1x256x1024xi32> to vector<1xi32>
    %reduce_sum3A_135 = vector.shape_cast %reduce_sum3A_134 : vector<1xi32> to vector<1x1x1xi32>
    %reduce_sum3A_136 = vector.extract %reduce_sum3A_135[0, 0, 0] : i32 from vector<1x1x1xi32>
    %lt3A_137 = vector.broadcast %scan3A_55 : i32 to vector<256x1024xi32>
    %lt3A_138 = arith.cmpi ult, %not3A_117, %lt3A_137 : vector<256x1024xi32>
    %jit3A_139 = arith.constant 1 : i32
    %jit3A_140 = arith.constant 0 : i32
    %broadcast_in_dim3A_141 = vector.broadcast %jit3A_139 : i32 to vector<256x1024xi32>
    %broadcast_in_dim3A_142 = vector.broadcast %jit3A_140 : i32 to vector<256x1024xi32>
    %select_n3A_143 = arith.select %lt3A_138, %broadcast_in_dim3A_141, %broadcast_in_dim3A_142 : vector<256x1024xi1>, vector<256x1024xi32>
    %reduce_sum3A_144 = vector.shape_cast %select_n3A_143 : vector<256x1024xi32> to vector<1x256x1024xi32>
    %reduce_sum3A_145 = arith.constant dense<0> : vector<1xi32>
    %reduce_sum3A_146 = vector.multi_reduction <add>, %reduce_sum3A_144, %reduce_sum3A_145 [1, 2] : vector<1x256x1024xi32> to vector<1xi32>
    %reduce_sum3A_147 = vector.shape_cast %reduce_sum3A_146 : vector<1xi32> to vector<1x1x1xi32>
    %reduce_sum3A_148 = vector.extract %reduce_sum3A_147[0, 0, 0] : i32 from vector<1x1x1xi32>
    %ge3A = arith.constant 256 : i32
    %ge3A_149 = arith.cmpi sge, %reduce_sum3A_148, %ge3A : i32
    %select_n3A_150 = arith.select %ge3A_149, %scan3A_123, %scan3A_55 : i32
    %ge3A_151 = arith.constant 256 : i32
    %ge3A_152 = arith.cmpi sge, %reduce_sum3A_148, %ge3A_151 : i32
    %select_n3A_153 = arith.select %ge3A_152, %reduce_sum3A_136, %reduce_sum3A_148 : i32
    %not3A_154 = arith.constant -1 : i32
    %not3A_155 = arith.xori %select_n3A_150, %not3A_154 : i32
    %bitcast_convert_type3A_156 = arith.bitcast %not3A_155 : i32 to f32
    %lt3A_157 = vector.broadcast %select_n3A_150 : i32 to vector<256x1024xi32>
    %lt3A_158 = arith.cmpi ult, %not3A_117, %lt3A_157 : vector<256x1024xi32>
    %sqrt3A = math.sqrt %select_n3A_111 : vector<256x1024xf32>
    %jit3A_159 = arith.constant 0.000000e+00 : f32
    %broadcast_in_dim3A_160 = vector.broadcast %jit3A_159 : f32 to vector<256x1024xf32>
    %select_n3A_161 = arith.select %lt3A_158, %sqrt3A, %broadcast_in_dim3A_160 : vector<256x1024xi1>, vector<256x1024xf32>
    %reduce_sum3A_162 = vector.shape_cast %select_n3A_161 : vector<256x1024xf32> to vector<1x256x1024xf32>
    %reduce_sum3A_163 = arith.constant dense<0.000000e+00> : vector<1xf32>
    %reduce_sum3A_164 = vector.multi_reduction <add>, %reduce_sum3A_162, %reduce_sum3A_163 [1, 2] : vector<1x256x1024xf32> to vector<1xf32>
    %reduce_sum3A_165 = vector.shape_cast %reduce_sum3A_164 : vector<1xf32> to vector<1x1x1xf32>
    %reduce_sum3A_166 = vector.extract %reduce_sum3A_165[0, 0, 0] : f32 from vector<1x1x1xf32>
    %sub3A_167 = arith.constant 256 : i32
    %sub3A_168 = arith.subi %sub3A_167, %select_n3A_153 : i32
    %convert_element_type3A_169 = arith.sitofp %sub3A_168 : i32 to f32
    %sqrt3A_170 = math.sqrt %bitcast_convert_type3A_156 : f32
    %mul3A_171 = arith.mulf %convert_element_type3A_169, %sqrt3A_170 : f32
    %add3A_172 = arith.addf %reduce_sum3A_166, %mul3A_171 : f32
    %broadcast_in_dim3A_173 = arith.constant 0.000000e+00 : f32
    %broadcast_in_dim3A_174 = vector.broadcast %broadcast_in_dim3A_173 : f32 to vector<1x1xf32>
    %mul3A_175 = arith.constant 3.906250e-03 : f32
    %mul3A_176 = arith.mulf %add3A_172, %mul3A_175 : f32
    %add3A_177 = vector.broadcast %mul3A_176 : f32 to vector<1x1xf32>
    %add3A_178 = arith.addf %broadcast_in_dim3A_174, %add3A_177 : vector<1x1xf32>
    %swap3A = arith.constant 0 : index
    %swap3A_179 = arith.constant 0 : index
    %swap3A_180 = vector.load %arg2[%swap3A, %swap3A_179] : memref<1x1xf32, #tpu.memory_space<vmem>>, vector<1x1xf32>
    tpu.vector_store %arg2[%swap3A, %swap3A_179], %add3A_178 {strides = array<i32>} : memref<1x1xf32, #tpu.memory_space<vmem>>, vector<1x1xf32>,
    return
  }
}

</mosaic_0001>

<sc_bundles>
// kernel: kernel.6.cloned.1.call-start
scs
__scs_entry_jumppad:
0x0: {  	(pc) =	sbr.rel $0x88, $3  }
0x1: {  	(tag) =	ssettag $0x0;
	lr =	simm.s32 $0x1  }
0x2: {  	[smem:$0x3F9F] =	sst lr;
	_ =	strace $0xD0000000  }
0x3: {  	_ = 	snop  }
0x4: {  	_ = 	snop  }
0x5: {  	_ = 	snop  }
0x6: {  	_ = 	snop  }
0x7: {  	_ = 	snop  }
__scs_overlays_trampoline_lowered:
0x8: {  	[smem:$0x3FAE] =	sst s0  }
0x9: {  	[smem:$0x3FAF] =	sst s1  }
0xa: {  	[smem:$0x3FB0] =	sst s2  }
0xb: {  	[smem:$0x3FB1] =	sst s3  }
0xc: {  	[smem:$0x3FB2] =	sst s4  }
0xd: {  	[smem:$0x3FB3] =	sst s5  }
0xe: {  	[smem:$0x3FB4] =	sst s6  }
0xf: {  	[smem:$0x3FB5] =	sst s7  }
0x10: {  	[smem:$0x3FB6] =	sst s8  }
0x11: {  	[smem:$0x3FB7] =	sst s9;
	s0 =	simm.s32 @!p0 $0x0  }
0x12: {  	s1 =	sld [smem:$0x3F9D];
	s0 =	simm.s32 @p0 $0x1  }
0x13: {  	[smem:$0x3FB8] =	sst s0;
	s0 =	simm.s32 @!p1 $0x0  }
0x14: {  	s2 =	sld [smem:$0x3F9C];
	s0 =	simm.s32 @p1 $0x1  }
0x15: {  	[smem:$0x3FB9] =	sst s0;
	s0 =	simm.s32 @!p2 $0x0  }
0x16: {  	s3 =	sld [smem:$0x3FDB];
	s0 =	simm.s32 @p2 $0x1  }
0x17: {  	s4 =	simm.s32 $0x1BF5;
	[smem:$0x3FBB] =	sst s0  }
0x18: {  	s0 =	sld [smem:$0x3F9E];
	_ =	swait.ge [sflag:s4], $0x0  }
0x19: {  	s7 =	sld [smem:$0x3F9F]  }
0x1a: {  	s8 =	sadd.s32 $0xFFFFE003, lr  }
0x1b: {  	s9 =	sadd.s32 $0xFFFFFEF7, lr;
	s5 =	simm.s32 $0xFFFFFFFF;
	p2 =	slt.u32 s8, $0xFFFFF086  }
0x1c: {  	p1 =	slt.u32 s9, $0xF7A;
	s5 =	simm.s32 @!p2 $0x0  }
0x1d: {  	s5 =	simm.s32 @p1 $0x1;
	p0 =	seq.s32 s7, s2  }
0x1e: {  	s7 =	smul.u32 @!p0 $0xF7A, s2;
	p2 =	seq.s32 @!p0 s5, $0x0  }
0x1f: {  	s9 =	smul.u32 $0xF7A, s1;
	s8 =	simm.s32 @!p0 $0x1BF5;
	p2 =	por !p2, p0  }
0x20: {  	[sflag:s8] =	ssyncset.s32 @!p0 $0xFFFFF086;
	s6 =	sadd.s32 @!p0 s3, s7;
	s7 =	simm.s32 @!p0 $0x108  }
0x21: {  	s3 =	sadd.s32 s3, s9;
	s6 =	sadd.s32 @!p0 $0x88, s6;
	s7 =	simm.s32 @p2 $0x1082  }
0x22: {  	[simem:s7], [sflag:s8] =	dma.local @!p0 [hbm:s6], $0xF7A  }
0x23: {  	s9 =	sor.u32 $0xD0000000, s2;
	s6 =	simm.s32 $0x108;
	_ =	swait.ge @!p0 [sflag:s8], $0x0  }
0x24: {  	s3 =	sadd.s32 $0x88, s3;
	s6 =	simm.s32 @!p1 $0x1082;
	[sflag:s4] =	ssyncset.s32 $0xFFFFF086  }
0x25: {  	[simem:s6], [sflag:s4] =	dma.local [hbm:s3], $0xF7A  }
0x26: {  	[smem:$0x3F9F] =	sst s1;
	(tag) =	ssettag s2;
	_ =	strace s9  }
0x27: {  	s1 =	sld [smem:$0x3FAF]  }
0x28: {  	s2 =	sld [smem:$0x3FB0]  }
0x29: {  	s4 =	sld [smem:$0x3FB2]  }
0x2a: {  	p0 =	seq.s32 s5, $0x0;
	s5 =	sld [smem:$0x3FB3]  }
0x2b: {  	s6 =	sld [smem:$0x3FB4]  }
0x2c: {  	s7 =	sld [smem:$0x3FB5]  }
0x2d: {  	s3 =	simm.s32 $0x108;
	s8 =	sld [smem:$0x3FB6]  }
0x2e: {  	s3 =	simm.s32 @!p0 $0x1082;
	s9 =	sld [smem:$0x3FB7]  }
0x2f: {  	lr =	sadd.s32 s0, s3;
	s0 =	sld [smem:$0x3FAE]  }
0x30: {  	s3 =	sld [smem:$0x3FB1]  }
0x31: {  	[smem:$0x3FBA] =	sst s10  }
0x32: {  	s10 =	sld [smem:$0x3FB8];
	_ =	sdelay $0x3  }
0x33: {  	p0 =	seq.s32 s10, $0x1;
	s10 =	sld [smem:$0x3FBA];
	_ =	sdelay $0x3  }
0x34: {  	[smem:$0x3FBA] =	sst s10  }
0x35: {  	s10 =	sld [smem:$0x3FB9];
	_ =	sdelay $0x3  }
0x36: {  	p1 =	seq.s32 s10, $0x1;
	s10 =	sld [smem:$0x3FBA];
	_ =	sdelay $0x3  }
0x37: {  	[smem:$0x3FBA] =	sst s10  }
0x38: {  	s10 =	sld [smem:$0x3FBB]  }
0x39: {  	_ = 	snop;
	(pc) =	sbr.ind lr, $3  }
0x3a: {  	_ = 	snop  }
0x3b: {  	_ = 	snop  }
0x3c: {  	p2 =	seq.s32 s10, $0x1;
	s10 =	sld [smem:$0x3FBA]  }
0x3d: {  	_ =	shalt  }
0x3e: {  	_ =	shalt  }
0x3f: {  	_ =	shalt  }
0x40: {  	_ =	shalt  }
0x41: {  	_ =	shalt  }
0x42: {  	_ =	shalt  }
0x43: {  	_ =	shalt  }
0x44: {  	_ =	shalt  }
0x45: {  	_ =	shalt  }
0x46: {  	_ =	shalt  }
0x47: {  	_ =	shalt  }
0x48: {  	_ =	shalt  }
0x49: {  	_ =	shalt  }
0x4a: {  	_ =	shalt  }
0x4b: {  	_ =	shalt  }
0x4c: {  	_ =	shalt  }
0x4d: {  	_ =	shalt  }
0x4e: {  	_ =	shalt  }
0x4f: {  	_ =	shalt  }
0x50: {  	_ =	shalt  }
0x51: {  	_ =	shalt  }
0x52: {  	_ =	shalt  }
0x53: {  	_ =	shalt  }
0x54: {  	_ =	shalt  }
0x55: {  	_ =	shalt  }
0x56: {  	_ =	shalt  }
0x57: {  	_ =	shalt  }
0x58: {  	_ =	shalt  }
0x59: {  	_ =	shalt  }
0x5a: {  	_ =	shalt  }
0x5b: {  	_ =	shalt  }
0x5c: {  	_ =	shalt  }
0x5d: {  	_ =	shalt  }
0x5e: {  	_ =	shalt  }
0x5f: {  	_ =	shalt  }
0x60: {  	_ =	shalt  }
0x61: {  	_ =	shalt  }
0x62: {  	_ =	shalt  }
0x63: {  	_ =	shalt  }
0x64: {  	_ =	shalt  }
0x65: {  	_ =	shalt  }
0x66: {  	_ =	shalt  }
0x67: {  	_ =	shalt  }
0x68: {  	_ =	shalt  }
0x69: {  	_ =	shalt  }
0x6a: {  	_ =	shalt  }
0x6b: {  	_ =	shalt  }
0x6c: {  	_ =	shalt  }
0x6d: {  	_ =	shalt  }
0x6e: {  	_ =	shalt  }
0x6f: {  	_ =	shalt  }
0x70: {  	_ =	shalt  }
0x71: {  	_ =	shalt  }
0x72: {  	_ =	shalt  }
0x73: {  	_ =	shalt  }
0x74: {  	_ =	shalt  }
0x75: {  	_ =	shalt  }
0x76: {  	_ =	shalt  }
0x77: {  	_ =	shalt  }
0x78: {  	_ =	shalt  }
0x79: {  	_ =	shalt  }
0x7a: {  	_ =	shalt  }
0x7b: {  	_ =	shalt  }
0x7c: {  	_ =	shalt  }
0x7d: {  	_ =	shalt  }
0x7e: {  	_ =	shalt  }
0x7f: {  	_ =	shalt  }
0x80: {  	_ =	shalt  }
0x81: {  	_ =	shalt  }
0x82: {  	_ =	shalt  }
0x83: {  	_ =	shalt  }
0x84: {  	_ =	shalt  }
0x85: {  	_ =	shalt  }
0x86: {  	_ =	shalt  }
0x87: {  	_ =	shalt  }
.Lfunc_end0:
.L_simem_size_0:
called_computation_lowered:
.L_overlay_start_0:
0x88: {  	s2 =	sld [smem:$0x3FD9]  }
0x89: {  	s3 =	sld [smem:$0x3FFE];
	_ =	sdelay $0x1  }
0x8a: {  	s1 =	srdreg.scid  }
0x8b: {  	s0 =	sand.u32 $0x1, s1  }
0x8c: {  	s17 =	sshll.u32 s0, $0xA;
	s2 =	sadd.s32 s3, s2  }
0x8d: {  	s2 =	sadd.s32 s2, s17  }
0x8e: {  	[smem:$0x3FC6] =	sst s2  }
0x8f: {  	_ = 	snop  }
0x90: {  	s2 =	sld [smem:$0x3FD0];
	(tm) =	ssettm $0x1  }
0x91: {  	s18 =	sld [smem:$0x3FFB];
	_ =	sdelay $0x3  }
0x92: {  	_ =	strace s18  }
0x93: {  	s3 =	sld [smem:$0x3FFC];
	_ =	sdelay $0x3  }
0x94: {  	_ =	strace s3  }
0x95: {  	s3 =	sld [smem:$0x3FFD];
	_ =	sdelay $0x3  }
0x96: {  	_ =	strace s3  }
0x97: {  	_ =	strace $0x8FFFFFFF  }
0x98: {  	s19 =	sld [smem:$0x3FDB];
	_ =	sdelay $0x1  }
0x99: {  	s4 =	simm.s32 $_scs_section_size  }
0x9a: {  	s5 =	simm.s32 $_size__tile_overlayer_lowered;
	s6 =	simm.s32 $_tile_overlayer_lowered  }
0x9b: {  	s22 =	simm.s32 $0x1BFF;
	s21 =	sshll.u32 s6, $0x1;
	s3 =	sadd.s32 s4, s19  }
0x9c: {  	s7 =	simm.s32 $0x0;
	s20 =	sshll.u32 s5, $0x1;
	s5 =	sadd.s32 s21, s3  }
0x9d: {  	[timem:s7], [sflag:s22] =	dma.local [hbm:s5], s20  }
0x9e: {  	_ =	swait.ge [sflag:s22], s20  }
0x9f: {  	s4 =	ssub.s32 $0x0, s20;
	[sflag:s22] =	ssyncset.done $0x0  }
0xa0: {  	[sflag:s22] =	ssyncadd.s32 s4;
	_ =	sdelay $0x1  }
0xa1: {  	s23 =	simm.s32 $0x1B8B  }
0xa2: {  	_ =	swait.ge [sflag:s23], $0x1  }
0xa3: {  	[sflag:s23] =	ssyncset.done $0x0  }
0xa4: {  	s25 =	simm.s32 $0x1B8E;
	s24 =	sld [smem:$0x3FFE];
	[sflag:s23] =	ssyncadd.s32 $0xFFFFFFFF  }
0xa5: {  	s26 =	simm.s32 $execute0_lowered;
	[smem:$0x3FD2] =	sst s25  }
0xa6: {  	s5 =	sshll.u32 s26, $0x1;
	_ =	strace $0x80000046;
	[dreg:$0x1] =	wrdreg $0xFFFFFFFF  }
0xa7: {  	s28 =	simm.s32 $_size_execute0_lowered;
	s3 =	sadd.s32 s3, s5;
	[dreg:$0x0] =	wrdreg $0x0  }
0xa8: {  	s5 =	sshll.u32 s28, $0x1;
	[dreg:$0x2] =	wrdreg s3  }
0xa9: {  	[dreg:$0x3] =	wrdreg s5  }
0xaa: {  	[dreg:$0x4] =	wrdreg $0xC0  }
0xab: {  	_ =	task [dreg:s7], $0x5FFFF  }
0xac: {  	[dreg:$0x1] =	wrdreg $0xFFFFFFFF  }
0xad: {  	[dreg:$0x0] =	wrdreg $0x60  }
0xae: {  	[dreg:$0x2] =	wrdreg s24  }
0xaf: {  	[dreg:$0x3] =	wrdreg s2  }
0xb0: {  	[dreg:$0x4] =	wrdreg $0x6A200  }
0xb1: {  	[dreg:$0x5] =	wrdreg $0x82A00  }
0xb2: {  	[dreg:$0x6] =	wrdreg $0x6A100  }
0xb3: {  	[dreg:$0x7] =	wrdreg $0x9  }
0xb4: {  	_ =	task.clear_ibuf [dreg:s7], $0x8FFFF;
	_ =	strace $0x90000046  }
0xb5: {  	s29 =	simm.s32 $0x9;
	_ =	strace $0x80000048  }
0xb6: {  	_ =	swait.ge [sflag:s29], $0x1  }
0xb7: {  	[sflag:s29] =	ssyncadd.s32 $0xFFFFFFFF  }
0xb8: {  	_ =	strace $0x90000048  }
0xb9: {  	_ =	sfence  }
0xba: {  	s30 =	sld [smem:$0x0];
	_ =	sdelay $0x2  }
0xbb: {  	s31 =	sshll.u32 s1, $0xD;
	s1 =	sshrl.u32 s1, $0x2  }
0xbc: {  	s3 =	sand.u32 $0x4000, s31;
	s1 =	sadd.s32 s1, s30  }
0xbd: {  	s0 =	sor.u32 s3, s0;
	s1 =	sshll.u32 s1, $0x11  }
0xbe: {  	s0 =	sor.u32 s1, s0  }
0xbf: {  	s0 =	sadd.s32 $0x8F2B, s0  }
0xc0: {  	[sflag:s0] =	ssyncadd.remote.s32 $0x1  }
0xc1: {  	_ =	sfence.sel $0xFFFF  }
0xc2: {  	[dreg:$0x0] =	wrdreg $0xFFFFFFFF;
	(pc) =	sbr.abs _section_cstart, $3  }
0xc3: {  	[dreg:$0x1] =	wrdreg $0xFFFFFFFF  }
0xc4: {  	_ =	task.clear_ibuf [dreg:s7], $0x2FFFF;
	_ =	strace $0x9FFFFFFF  }
0xc5: {  	(tm) =	ssettm $0x7FFFFFFF  }
tec
execute0_lowered:
.L_overlay_start_1:
0x0: {  	(tag) =	ssettag $0x1  }
0x1: {  	s7 =	rddreg [dreg:$0x0]  }
0x2: {  	s0 =	rddreg [dreg:$0x1]  }
0x3: {  	s1 =	rddreg [dreg:$0x2]  }
0x4: {  	s2 =	rddreg [dreg:$0x3];
	s3 =	srdreg.scid  }
0x5: {  	s18 =	stileid.u32;
	s4 =	rddreg [dreg:$0x4]  }
0x6: {  	s6 =	simm.s32 $0x0;
	s15 =	simm.s32 $0x1;
	s16 =	simm.s32 $0x1880  }
0x7: {  	s17 =	simm.s32 $0x3100;
	s19 =	simm.s32 $0x4D90;
	s20 =	simm.s32 $0x0  }
0x8: {  	s14 =	sand.u32 $0x1, s3;
	s5 =	smul.u32 $0x1880, s18;
	s3 =	rddreg [dreg:$0x5]  }
0x9: {  	[smem:$0x7FF] =	sst s6;
	s31 =	sshll.u32 s18, $0x4;
	p1 =	sne.s32 s18, $0x0  }
0xa: {  	s18 =	simm.s32 $0x4990;
	s8 =	smul.u32 $0x18800, s14;
	_ =	strace $0x80000047  }
0xb: {  	s9 =	sshll.u32 s14, $0x7;
	s10 =	ssub.s32 $0x2, s14;
	p0 =	seq.s32 s14, $0x0  }
.Ltmp0:
0xc: {  	s14 =	simm.s32 $0x4980;
	s12 =	sadd.s32 s9, s7;
	(pc) =	sbr.rel .LBB2_1-.Ltmp0, $4  }
0xd: {  	s30 =	sshrl.u32 s10, $0x1;
	s9 =	sadd.s32 s5, s2;
	s8 =	sadd.s32 s5, s8  }
0xe: {  	vm0 =	vmmov $0x1;
	s13 =	ssub.s32 s10, s30;
	s10 =	sadd.s32 s31, s4;
	s8 =	sshrl.u32 s8, $0x3  }
0xf: {  	vm1 =	vcmask $0x70C;
	v0 =	vlaneseq.u32;
	v1 =	vimm.s32 $0x0;
	s11 =	sadd.s32 $0x7E00, s12;
	s12 =	sadd.s32 $0x7C00, s12;
	s8 =	sadd.s32 s8, s7  }
0x10: {  	vm2 =	vcmask $0x300;
	vm3 =	vcmask $0x704;
	vm4 =	vcmask $0x308;
	s13 =	smax.u32 s13, $0x1;
	s7 =	sadd.s32 $0x1A00, s8;
	s8 =	sadd.s32 s5, s1  }
.LBB2_16:
0x11: {  	[hbm4b:s11+s6] =	stream.linear.scatter [tilespmem:s18], [sflag:$0x1], $0x400, $0x38;
	[tilespmem:$0x9B20] =	vst v63  }
0x12: {  	_ =	swait.ge [sflag:s15], $0x400  }
0x13: {  	[sflag:s15] =	ssyncset.done $0x0  }
0x14: {  	[sflag:s15] =	ssyncadd.s32 $0xFFFFFC00  }
0x15: {  	[hbm4b:s12+s6] =	stream.linear.scatter [tilespmem:s19], [sflag:$0x1], $0x400, $0x38;
	[tilespmem:$0x9B20] =	vst v63  }
0x16: {  	_ =	swait.ge [sflag:s15], $0x400  }
0x17: {  	[sflag:s15] =	ssyncset.done $0x0  }
0x18: {  	[sflag:s15] =	ssyncadd.s32 $0xFFFFFC00  }
.LBB2_17:
0x19: {  	s20 =	sadd.s32 $0x1, s20  }
0x1a: {  	p2 =	sne.s32 s20, s13  }
.Ltmp1:
0x1b: {  	_ = 	snop;
	(pc) =	sbr.rel @!p2 .LBB2_18-.Ltmp1, $1  }
0x1c: {  	_ =	sdelay $0x3  }
.LBB2_1:
0x1d: {  	[tilespmem:s14], [sflag:$0x1] =	stream.linear.gather [hbm4b:s0+s6], $0x10, $0x38;
	[tilespmem:$0x9B20] =	vst v63  }
0x1e: {  	_ =	swait.ge [sflag:s15], $0x10  }
0x1f: {  	[sflag:s15] =	ssyncset.done $0x0  }
0x20: {  	[sflag:s15] =	ssyncadd.s32 $0xFFFFFFF0  }
0x21: {  	v2 =	vld [tilespmem:$0x4980];
	_ =	sdelay $0x4  }
0x22: {  	v3 =	vnsel vm0, $0x0, v2  }
0x23: {  	v2 =	vsel vm1, $0x0, v2;
	(xrf0) =	vadd.scan.msk.s32 $0xffff, v3  }
0x24: {  	(xrf0) =	vadd.scan.msk.s32 $0xffff, v2;
	_ =	sdelay $0x4  }
0x25: {  	v2, _, _ =	vpop (xrf0)  }
0x26: {  	(v2sf) =	vpush v2, $0xF;
	v2, _, _ =	vpop (xrf0)  }
0x27: {  	(v2sf) =	vpush v2, $0xF;
	_ =	sdelay $0xc  }
0x28: {  	[tilespmem:s6], [sflag:$0x1] =	stream.linear.gather [hbm4b:s7+s6], $0x1880, $0x38;
	[tilespmem:$0x9B20] =	vst v63  }
0x29: {  	s21 =	spop (v2sf)  }
0x2a: {  	s22 =	spop (v2sf)  }
0x2b: {  	_ =	swait.ge [sflag:s15], $0x1880  }
0x2c: {  	[sflag:s15] =	ssyncset.done $0x0  }
0x2d: {  	s23 =	simm.s32 $0x0;
	[sflag:s15] =	ssyncadd.s32 $0xFFFFE780  }
0x2e: {  	v3 =	vld [tilespmem:s23+$0x0];
	_ =	sdelay $0x2  }
0x2f: {  	s22 =	smov.u32 @p0 s21  }
0x30: {  	v2 =	vmov s22  }
0x31: {  	vm5 =	vlt.s32 v3, v2  }
0x32: {  	vm6 =	veq.s32 v3, v2;
	v3 =	vsel vm5, $0x1, v1  }
0x33: {  	v4 =	vsel vm6, $0x1, v1;
	(xrf0) =	vadd.scan.msk.s32 $0xffff, v3  }
0x34: {  	(xrf0) =	vadd.scan.msk.s32 $0xffff, v4;
	_ =	sdelay $0x1  }
0x35: {  	v3 =	vmov s6  }
0x36: {  	v3 =	vadd.s32 $0xFFFFFFFF, v3  }
0x37: {  	v3 =	vbroadcast v3, $0x0  }
0x38: {  	v63, _, _ =	vpop (xrf0)  }
0x39: {  	v5 =	vadd.s32 v63, v3;
	v6, _, _ =	vpop (xrf0);
	(v2sf) =	vpush v63, $0xF  }
0x3a: {  	v3 =	vadd.s32 v6, v3;
	(v2sf) =	vpush v6, $0xF;
	_ =	sdelay $0x2  }
0x3b: {  	v7 =	vor.u32 s5, v0  }
0x3c: {  	s25 =	simm.s32 $0x10;
	s24 =	simm.s32 $0x80;
	[tilespmem:v5+s16+$0x0] =	vst.idx.msk vm5, v7  }
0x3d: {  	s21 =	smov.u32 s5;
	s22 =	simm.s32 $0x0;
	s23 =	simm.s32 $0x0;
	[tilespmem:v3+s17+$0x0] =	vst.idx.msk vm6, v7  }
.LBB2_2:
0x3e: {  	p2 =	sne.s32 s24, $0x61C0;
	v3 =	vld [tilespmem:s25+$0x0];
	_ =	sdelay $0x4  }
0x3f: {  	vm6 =	vlt.s32 v3, v2;
	vm5 =	veq.s32 v3, v2  }
0x40: {  	v3 =	vsel vm6, $0x1, v1  }
0x41: {  	v4 =	vsel vm5, $0x1, v1;
	(xrf0) =	vadd.scan.msk.s32 $0xffff, v3  }
0x42: {  	(xrf0) =	vadd.scan.msk.s32 $0xffff, v4;
	s25 =	spop (v2sf)  }
0x43: {  	s23 =	sadd.s32 s23, s25;
	s25 =	spop (v2sf)  }
0x44: {  	v3 =	vmov s23;
	s22 =	sadd.s32 s22, s25  }
0x45: {  	v3 =	vadd.s32 $0xFFFFFFFF, v3;
	v4 =	vmov s22  }
0x46: {  	v3 =	vbroadcast v3, $0x0;
	v4 =	vadd.s32 $0xFFFFFFFF, v4  }
0x47: {  	v4 =	vbroadcast v4, $0x0;
	v5, _, _ =	vpop (xrf0)  }
0x48: {  	v3 =	vadd.s32 v5, v3;
	v6, _, _ =	vpop (xrf0);
	(v2sf) =	vpush v5, $0xF  }
0x49: {  	v4 =	vadd.s32 v6, v4;
	(v2sf) =	vpush v6, $0xF  }
.Ltmp2:
0x4a: {  	(pc) =	sbr.rel @p2 .LBB2_2-.Ltmp2, $4  }
0x4b: {  	s21 =	sadd.s32 $0x10, s21  }
0x4c: {  	v5 =	vor.u32 s21, v0  }
0x4d: {  	[tilespmem:v3+s16+$0x0] =	vst.idx.msk vm6, v5  }
0x4e: {  	s25 =	sshra.s32 s24, $0x2;
	s24 =	sadd.s32 $0x40, s24;
	[tilespmem:v4+s17+$0x0] =	vst.idx.msk vm5, v5  }
0x4f: {  	v3 =	vld [tilespmem:s25+$0x0];
	_ =	sdelay $0x4  }
0x50: {  	vm5 =	vlt.s32 v3, v2  }
0x51: {  	vm6 =	veq.s32 v3, v2;
	v2 =	vsel vm5, $0x1, v1  }
0x52: {  	v3 =	vsel vm6, $0x1, v1;
	(xrf0) =	vadd.scan.msk.s32 $0xffff, v2  }
0x53: {  	(xrf0) =	vadd.scan.msk.s32 $0xffff, v3;
	_ =	sdelay $0x4  }
0x54: {  	v2, _, _ =	vpop (xrf0)  }
0x55: {  	v3, _, _ =	vpop (xrf0);
	(v2sf) =	vpush v2, $0xF  }
0x56: {  	s24 =	spop (v2sf);
	(v2sf) =	vpush v3, $0xF  }
0x57: {  	s23 =	sadd.s32 s23, s24;
	s29 =	spop (v2sf)  }
0x58: {  	v4 =	vmov s23;
	s22 =	sadd.s32 s22, s29  }
0x59: {  	v4 =	vadd.s32 $0xFFFFFFFF, v4;
	v5 =	vmov s22  }
0x5a: {  	v4 =	vbroadcast v4, $0x0;
	v5 =	vadd.s32 $0xFFFFFFFF, v5  }
0x5b: {  	v5 =	vbroadcast v5, $0x0  }
0x5c: {  	v2 =	vadd.s32 v2, v4  }
0x5d: {  	v3 =	vadd.s32 v3, v5;
	_ =	sdelay $0x1  }
0x5e: {  	s21 =	sadd.s32 $0x10, s21  }
0x5f: {  	v63 =	vor.u32 s21, v0  }
0x60: {  	[tilespmem:v2+s16+$0x0] =	vst.idx.msk vm5, v63  }
0x61: {  	[tilespmem:v3+s17+$0x0] =	vst.idx.msk vm6, v63  }
0x62: {  	[spmem:s8] =	stream.linear.scatter [tilespmem:s16], [sflag:$0x1], $0x1880, $0x38;
	[tilespmem:$0x9B20] =	vst v63  }
0x63: {  	s30 =	spop (v2sf)  }
0x64: {  	s31 =	spop (v2sf)  }
0x65: {  	_ =	swait.ge [sflag:s15], $0x1880  }
0x66: {  	[sflag:s15] =	ssyncset.done $0x0  }
0x67: {  	s21 =	sadd.s32 s23, s30;
	s22 =	sadd.s32 s22, s31;
	[sflag:s15] =	ssyncadd.s32 $0xFFFFE780  }
0x68: {  	[spmem:s9] =	stream.linear.scatter [tilespmem:s17], [sflag:$0x1], $0x1880, $0x38;
	[tilespmem:$0x9B20] =	vst v63  }
0x69: {  	v2 =	vmov s21;
	v3 =	vmov s22;
	_ =	swait.ge [sflag:s15], $0x1880  }
0x6a: {  	v2 =	vnsel vm2, $0x0, v2;
	v3 =	vnsel vm3, $0x0, v3;
	[sflag:s15] =	ssyncset.done $0x0  }
0x6b: {  	v2 =	vadd.s32 v2, v3;
	[sflag:s15] =	ssyncadd.s32 $0xFFFFE780  }
0x6c: {  	[tilespmem:$0x4980] =	vst v2  }
0x6d: {  	[spmem:s10] =	stream.linear.scatter [tilespmem:s14], [sflag:$0x1], $0x10, $0x38;
	[tilespmem:$0x9B20] =	vst v63  }
.Ltmp3:
0x6e: {  	_ =	swait.ge [sflag:s15], $0x10;
	(pc) =	sbr.rel @p1 .LBB2_17-.Ltmp3, $3  }
0x6f: {  	[sflag:s15] =	ssyncset.done $0x0  }
0x70: {  	[sflag:s15] =	ssyncadd.s32 $0xFFFFFFF0  }
0x71: {  	[bflag:$0x0] =	sbarrier.arrive $0xFFFF;
	_ =	sdelay $0x1  }
0x72: {  	[tilespmem:$0x4990] =	vst v1  }
0x73: {  	[tilespmem:$0x4D90] =	vst v1  }
0x74: {  	[tilespmem:$0x49A0] =	vst v1  }
0x75: {  	[tilespmem:$0x4DA0] =	vst v1  }
0x76: {  	[tilespmem:$0x49B0] =	vst v1  }
0x77: {  	[tilespmem:$0x4DB0] =	vst v1  }
0x78: {  	[tilespmem:$0x49C0] =	vst v1  }
0x79: {  	[tilespmem:$0x4DC0] =	vst v1  }
0x7a: {  	[tilespmem:$0x49D0] =	vst v1  }
0x7b: {  	[tilespmem:$0x4DD0] =	vst v1  }
0x7c: {  	[tilespmem:$0x49E0] =	vst v1  }
0x7d: {  	[tilespmem:$0x4DE0] =	vst v1  }
0x7e: {  	[tilespmem:$0x49F0] =	vst v1  }
0x7f: {  	[tilespmem:$0x4DF0] =	vst v1  }
0x80: {  	[tilespmem:$0x4A00] =	vst v1  }
0x81: {  	[tilespmem:$0x4E00] =	vst v1  }
0x82: {  	[tilespmem:$0x4A10] =	vst v1  }
0x83: {  	[tilespmem:$0x4E10] =	vst v1  }
0x84: {  	[tilespmem:$0x4A20] =	vst v1  }
0x85: {  	[tilespmem:$0x4E20] =	vst v1  }
0x86: {  	[tilespmem:$0x4A30] =	vst v1  }
0x87: {  	[tilespmem:$0x4E30] =	vst v1  }
0x88: {  	[tilespmem:$0x4A40] =	vst v1  }
0x89: {  	[tilespmem:$0x4E40] =	vst v1  }
0x8a: {  	[tilespmem:$0x4A50] =	vst v1  }
0x8b: {  	[tilespmem:$0x4E50] =	vst v1  }
0x8c: {  	[tilespmem:$0x4A60] =	vst v1  }
0x8d: {  	[tilespmem:$0x4E60] =	vst v1  }
0x8e: {  	[tilespmem:$0x4A70] =	vst v1  }
0x8f: {  	[tilespmem:$0x4E70] =	vst v1  }
0x90: {  	[tilespmem:$0x4A80] =	vst v1  }
0x91: {  	[tilespmem:$0x4E80] =	vst v1  }
0x92: {  	[tilespmem:$0x4A90] =	vst v1  }
0x93: {  	[tilespmem:$0x4E90] =	vst v1  }
0x94: {  	[tilespmem:$0x4AA0] =	vst v1  }
0x95: {  	[tilespmem:$0x4EA0] =	vst v1  }
0x96: {  	[tilespmem:$0x4AB0] =	vst v1  }
0x97: {  	[tilespmem:$0x4EB0] =	vst v1  }
0x98: {  	[tilespmem:$0x4AC0] =	vst v1  }
0x99: {  	[tilespmem:$0x4EC0] =	vst v1  }
0x9a: {  	[tilespmem:$0x4AD0] =	vst v1  }
0x9b: {  	[tilespmem:$0x4ED0] =	vst v1  }
0x9c: {  	[tilespmem:$0x4AE0] =	vst v1  }
0x9d: {  	[tilespmem:$0x4EE0] =	vst v1  }
0x9e: {  	[tilespmem:$0x4AF0] =	vst v1  }
0x9f: {  	[tilespmem:$0x4EF0] =	vst v1  }
0xa0: {  	[tilespmem:$0x4B00] =	vst v1  }
0xa1: {  	[tilespmem:$0x4F00] =	vst v1  }
0xa2: {  	[tilespmem:$0x4B10] =	vst v1  }
0xa3: {  	[tilespmem:$0x4F10] =	vst v1  }
0xa4: {  	[tilespmem:$0x4B20] =	vst v1  }
0xa5: {  	[tilespmem:$0x4F20] =	vst v1  }
0xa6: {  	[tilespmem:$0x4B30] =	vst v1  }
0xa7: {  	[tilespmem:$0x4F30] =	vst v1  }
0xa8: {  	[tilespmem:$0x4B40] =	vst v1  }
0xa9: {  	[tilespmem:$0x4F40] =	vst v1  }
0xaa: {  	[tilespmem:$0x4B50] =	vst v1  }
0xab: {  	[tilespmem:$0x4F50] =	vst v1  }
0xac: {  	[tilespmem:$0x4B60] =	vst v1  }
0xad: {  	[tilespmem:$0x4F60] =	vst v1  }
0xae: {  	[tilespmem:$0x4B70] =	vst v1  }
0xaf: {  	[tilespmem:$0x4F70] =	vst v1  }
0xb0: {  	[tilespmem:$0x4B80] =	vst v1  }
0xb1: {  	[tilespmem:$0x4F80] =	vst v1  }
0xb2: {  	[tilespmem:$0x4B90] =	vst v1  }
0xb3: {  	[tilespmem:$0x4F90] =	vst v1  }
0xb4: {  	[tilespmem:$0x4BA0] =	vst v1  }
0xb5: {  	[tilespmem:$0x4FA0] =	vst v1  }
0xb6: {  	[tilespmem:$0x4BB0] =	vst v1  }
0xb7: {  	[tilespmem:$0x4FB0] =	vst v1  }
0xb8: {  	[tilespmem:$0x4BC0] =	vst v1  }
0xb9: {  	[tilespmem:$0x4FC0] =	vst v1  }
0xba: {  	[tilespmem:$0x4BD0] =	vst v1  }
0xbb: {  	[tilespmem:$0x4FD0] =	vst v1  }
0xbc: {  	[tilespmem:$0x4BE0] =	vst v1  }
0xbd: {  	[tilespmem:$0x4FE0] =	vst v1  }
0xbe: {  	[tilespmem:$0x4BF0] =	vst v1  }
0xbf: {  	[tilespmem:$0x4FF0] =	vst v1  }
0xc0: {  	[tilespmem:$0x4C00] =	vst v1  }
0xc1: {  	[tilespmem:$0x5000] =	vst v1  }
0xc2: {  	[tilespmem:$0x4C10] =	vst v1  }
0xc3: {  	[tilespmem:$0x5010] =	vst v1  }
0xc4: {  	[tilespmem:$0x4C20] =	vst v1  }
0xc5: {  	[tilespmem:$0x5020] =	vst v1  }
0xc6: {  	[tilespmem:$0x4C30] =	vst v1  }
0xc7: {  	[tilespmem:$0x5030] =	vst v1  }
0xc8: {  	[tilespmem:$0x4C40] =	vst v1  }
0xc9: {  	[tilespmem:$0x5040] =	vst v1  }
0xca: {  	[tilespmem:$0x4C50] =	vst v1  }
0xcb: {  	[tilespmem:$0x5050] =	vst v1  }
0xcc: {  	[tilespmem:$0x4C60] =	vst v1  }
0xcd: {  	[tilespmem:$0x5060] =	vst v1  }
0xce: {  	[tilespmem:$0x4C70] =	vst v1  }
0xcf: {  	[tilespmem:$0x5070] =	vst v1  }
0xd0: {  	[tilespmem:$0x4C80] =	vst v1  }
0xd1: {  	[tilespmem:$0x5080] =	vst v1  }
0xd2: {  	[tilespmem:$0x4C90] =	vst v1  }
0xd3: {  	[tilespmem:$0x5090] =	vst v1  }
0xd4: {  	[tilespmem:$0x4CA0] =	vst v1  }
0xd5: {  	[tilespmem:$0x50A0] =	vst v1  }
0xd6: {  	[tilespmem:$0x4CB0] =	vst v1  }
0xd7: {  	[tilespmem:$0x50B0] =	vst v1  }
0xd8: {  	[tilespmem:$0x4CC0] =	vst v1  }
0xd9: {  	[tilespmem:$0x50C0] =	vst v1  }
0xda: {  	[tilespmem:$0x4CD0] =	vst v1  }
0xdb: {  	[tilespmem:$0x50D0] =	vst v1  }
0xdc: {  	[tilespmem:$0x4CE0] =	vst v1  }
0xdd: {  	[tilespmem:$0x50E0] =	vst v1  }
0xde: {  	[tilespmem:$0x4CF0] =	vst v1  }
0xdf: {  	[tilespmem:$0x50F0] =	vst v1  }
0xe0: {  	[tilespmem:$0x4D00] =	vst v1  }
0xe1: {  	[tilespmem:$0x5100] =	vst v1  }
0xe2: {  	[tilespmem:$0x4D10] =	vst v1  }
0xe3: {  	[tilespmem:$0x5110] =	vst v1  }
0xe4: {  	[tilespmem:$0x4D20] =	vst v1  }
0xe5: {  	[tilespmem:$0x5120] =	vst v1  }
0xe6: {  	[tilespmem:$0x4D30] =	vst v1  }
0xe7: {  	[tilespmem:$0x5130] =	vst v1  }
0xe8: {  	[tilespmem:$0x4D40] =	vst v1  }
0xe9: {  	[tilespmem:$0x5140] =	vst v1  }
0xea: {  	[tilespmem:$0x4D50] =	vst v1  }
0xeb: {  	[tilespmem:$0x5150] =	vst v1  }
0xec: {  	[tilespmem:$0x4D60] =	vst v1  }
.Ltmp4:
0xed: {  	[tilespmem:$0x5160] =	vst v1;
	(pc) =	sbr.rel .LBB2_5-.Ltmp4, $4  }
0xee: {  	[tilespmem:$0x4D70] =	vst v1  }
0xef: {  	[tilespmem:$0x5170] =	vst v1  }
0xf0: {  	[tilespmem:$0x4D80] =	vst v1  }
0xf1: {  	[tilespmem:$0x5180] =	vst v1;
	s21 =	simm.s32 $0x0;
	s22 =	simm.s32 $0x0  }
.LBB2_8:
0xf2: {  	v3 =	vadd.s32 s21, v0;
	_ =	sdelay $0x3  }
0xf3: {  	v4 =	vshrl.u32 v2, $0x1;
	p2 =	slt.s32 s28, $0x10  }
0xf4: {  	v2 =	vand.u32 $0x1, v2;
	s28 =	simm.s32 @!p2 $0x10;
	[tilespmem:v3+s18+$0x0] =	vst.idx.msk vm5, v4  }
0xf5: {  	s21 =	sadd.s32 s21, s28;
	[tilespmem:v3+s19+$0x0] =	vst.idx.msk vm5, v2  }
.LBB2_9:
0xf6: {  	s22 =	sadd.s32 $0x1, s22  }
0xf7: {  	p2 =	sne.s32 s22, $0x10  }
.Ltmp5:
0xf8: {  	_ = 	snop;
	(pc) =	sbr.rel @!p2 .LBB2_10-.Ltmp5, $1  }
0xf9: {  	_ =	sdelay $0x3  }
.LBB2_5:
0xfa: {  	s23 =	sshll.u32 s22, $0x4  }
0xfb: {  	s23 =	sand.u32 $0x3FFFFFF0, s23  }
0xfc: {  	s23 =	sadd.s32 s23, s4  }
0xfd: {  	[tilespmem:s14], [sflag:$0x1] =	stream.linear.gather [spmem:s23], $0x10, $0x38;
	[tilespmem:$0x9B20] =	vst v63  }
0xfe: {  	_ =	swait.ge [sflag:s15], $0x10  }
0xff: {  	[sflag:s15] =	ssyncset.done $0x0  }
0x100: {  	[sflag:s15] =	ssyncadd.s32 $0xFFFFFFF0  }
0x101: {  	v2 =	vld [tilespmem:$0x4980];
	_ =	sdelay $0x4  }
0x102: {  	v2 =	vnsel vm0, $0x0, v2  }
0x103: {  	(xrf0) =	vadd.scan.msk.s32 $0xffff, v2;
	_ =	sdelay $0x5  }
0x104: {  	v2, _, _ =	vpop (xrf0)  }
0x105: {  	(v2sf) =	vpush v2, $0xF;
	_ =	sdelay $0x9  }
0x106: {  	s30 =	smul.u32 $0x6200, s22;
	_ =	sdelay $0x1  }
0x107: {  	s24 =	sshra.s32 s30, $0x2  }
0x108: {  	s25 =	sadd.s32 s24, s1;
	s24 =	simm.s32 $0x5190  }
0x109: {  	[tilespmem:s24], [sflag:$0x1] =	stream.linear.gather [spmem:s25], $0x1880, $0x38;
	[tilespmem:$0x9B20] =	vst v63  }
0x10a: {  	s23 =	spop (v2sf)  }
0x10b: {  	s31 =	sadd.s32 $0xF, s23  }
0x10c: {  	s25 =	sshra.s32 s31, $0x4  }
0x10d: {  	p2 =	slt.s32 s25, $0x1  }
.Ltmp6:
0x10e: {  	_ = 	snop;
	(pc) =	sbr.rel @p2 .LBB2_9-.Ltmp6, $4  }
0x10f: {  	_ = 	snop  }
0x110: {  	_ =	swait.ge [sflag:s15], $0x1880  }
0x111: {  	[sflag:s15] =	ssyncset.done $0x0  }
0x112: {  	[sflag:s15] =	ssyncadd.s32 $0xFFFFE780  }
0x113: {  	p2 =	sne.s32 s25, $0x1  }
.Ltmp7:
0x114: {  	_ = 	snop;
	(pc) =	sbr.rel @!p2 .LBB2_8-.Ltmp7, $3  }
0x115: {  	_ =	sdelay $0x1  }
0x116: {  	v3 =	vmov s23  }
0x117: {  	v2 =	vld [tilespmem:s24+$0x0];
	s25 =	sadd.s32 $0xFFFFFFFF, s25;
	s26 =	smov.u32 s23;
	s28 =	smov.u32 s23;
	vm5 =	vgt.s32 v3, v0  }
.LBB2_7:
0x118: {  	p2 =	sne.s32 s25, $0x1;
	v3 =	vadd.s32 s21, v0;
	_ =	sdelay $0x2  }
.Ltmp8:
0x119: {  	(pc) =	sbr.rel @p2 .LBB2_7-.Ltmp8, $4  }
0x11a: {  	v4 =	vshrl.u32 v2, $0x1;
	v2 =	vand.u32 $0x1, v2  }
0x11b: {  	p3 =	slt.s32 s23, $0x10;
	s26 =	sadd.s32 $0xFFFFFFF0, s26;
	[tilespmem:v3+s18+$0x0] =	vst.idx.msk vm5, v4  }
0x11c: {  	s24 =	sadd.s32 $0x10, s24;
	s23 =	simm.s32 @!p3 $0x10;
	s28 =	smov.u32 s26;
	v4 =	vmov s26;
	[tilespmem:v3+s19+$0x0] =	vst.idx.msk vm5, v2  }
0x11d: {  	s25 =	sadd.s32 $0xFFFFFFFF, s25;
	s21 =	sadd.s32 s21, s23;
	s23 =	smov.u32 s28;
	vm5 =	vgt.s32 v4, v0;
	v2 =	vld [tilespmem:s24+$0x0]  }
.Ltmp9:
0x11e: {  	_ = 	snop;
	(pc) =	sbr.rel .LBB2_8-.Ltmp9, $1  }
0x11f: {  	_ =	sdelay $0x3  }
.LBB2_10:
.Ltmp10:
0x120: {  	(pc) =	sbr.rel .LBB2_11-.Ltmp10, $2  }
0x121: {  	_ =	sdelay $0x2  }
0x122: {  	s22 =	simm.s32 $0x0  }
.LBB2_14:
0x123: {  	v3 =	vadd.s32 s21, v0;
	_ =	sdelay $0x3  }
0x124: {  	v4 =	vshrl.u32 v2, $0x1;
	p2 =	slt.s32 s28, $0x10  }
0x125: {  	v2 =	vand.u32 $0x1, v2;
	s28 =	simm.s32 @!p2 $0x10;
	[tilespmem:v3+s18+$0x0] =	vst.idx.msk vm5, v4  }
0x126: {  	s21 =	sadd.s32 s21, s28;
	[tilespmem:v3+s19+$0x0] =	vst.idx.msk vm5, v2  }
.LBB2_15:
0x127: {  	s22 =	sadd.s32 $0x1, s22  }
0x128: {  	p2 =	sne.s32 s22, $0x10  }
.Ltmp11:
0x129: {  	_ = 	snop;
	(pc) =	sbr.rel @!p2 .LBB2_16-.Ltmp11, $1  }
0x12a: {  	_ =	sdelay $0x3  }
.LBB2_11:
0x12b: {  	s23 =	sshll.u32 s22, $0x4  }
0x12c: {  	s23 =	sand.u32 $0x3FFFFFF0, s23  }
0x12d: {  	s23 =	sadd.s32 s23, s4  }
0x12e: {  	[tilespmem:s14], [sflag:$0x1] =	stream.linear.gather [spmem:s23], $0x10, $0x38;
	[tilespmem:$0x9B20] =	vst v63  }
0x12f: {  	_ =	swait.ge [sflag:s15], $0x10  }
0x130: {  	[sflag:s15] =	ssyncset.done $0x0  }
0x131: {  	[sflag:s15] =	ssyncadd.s32 $0xFFFFFFF0  }
0x132: {  	v2 =	vld [tilespmem:$0x4980];
	_ =	sdelay $0x4  }
0x133: {  	v2 =	vsel vm4, $0x0, v2  }
0x134: {  	(xrf0) =	vadd.scan.msk.s32 $0xffff, v2;
	_ =	sdelay $0x5  }
0x135: {  	v2, _, _ =	vpop (xrf0)  }
0x136: {  	(v2sf) =	vpush v2, $0xF;
	_ =	sdelay $0xe  }
0x137: {  	s23 =	ssub.s32 $0x400, s21;
	s25 =	spop (v2sf)  }
0x138: {  	p2 =	slt.s32 s25, s23  }
0x139: {  	s23 =	smov.u32 @p2 s25  }
0x13a: {  	s24 =	smul.u32 $0x6200, s22;
	s31 =	sadd.s32 $0xF, s23  }
0x13b: {  	s25 =	sshra.s32 s31, $0x4  }
0x13c: {  	s24 =	sshra.s32 s24, $0x2;
	p2 =	slt.s32 s25, $0x1  }
.Ltmp12:
0x13d: {  	s30 =	sadd.s32 s24, s2;
	s24 =	simm.s32 $0x5190;
	(pc) =	sbr.rel @p2 .LBB2_15-.Ltmp12, $4  }
0x13e: {  	[tilespmem:s24], [sflag:$0x1] =	stream.linear.gather [spmem:s30], $0x1880, $0x38;
	[tilespmem:$0x9B20] =	vst v63  }
0x13f: {  	_ =	swait.ge [sflag:s15], $0x1880  }
0x140: {  	[sflag:s15] =	ssyncset.done $0x0  }
0x141: {  	[sflag:s15] =	ssyncadd.s32 $0xFFFFE780  }
0x142: {  	p2 =	sne.s32 s25, $0x1  }
.Ltmp13:
0x143: {  	_ = 	snop;
	(pc) =	sbr.rel @!p2 .LBB2_14-.Ltmp13, $3  }
0x144: {  	_ =	sdelay $0x1  }
0x145: {  	v3 =	vmov s23  }
0x146: {  	v2 =	vld [tilespmem:s24+$0x0];
	s25 =	sadd.s32 $0xFFFFFFFF, s25;
	s26 =	smov.u32 s23;
	s28 =	smov.u32 s23;
	vm5 =	vgt.s32 v3, v0  }
.LBB2_13:
0x147: {  	p2 =	sne.s32 s25, $0x1;
	v3 =	vadd.s32 s21, v0;
	_ =	sdelay $0x2  }
.Ltmp14:
0x148: {  	(pc) =	sbr.rel @p2 .LBB2_13-.Ltmp14, $4  }
0x149: {  	v4 =	vshrl.u32 v2, $0x1;
	v2 =	vand.u32 $0x1, v2  }
0x14a: {  	p3 =	slt.s32 s23, $0x10;
	s26 =	sadd.s32 $0xFFFFFFF0, s26;
	[tilespmem:v3+s18+$0x0] =	vst.idx.msk vm5, v4  }
0x14b: {  	s24 =	sadd.s32 $0x10, s24;
	s23 =	simm.s32 @!p3 $0x10;
	s28 =	smov.u32 s26;
	v4 =	vmov s26;
	[tilespmem:v3+s19+$0x0] =	vst.idx.msk vm5, v2  }
0x14c: {  	s25 =	sadd.s32 $0xFFFFFFFF, s25;
	s21 =	sadd.s32 s21, s23;
	s23 =	smov.u32 s28;
	vm5 =	vgt.s32 v4, v0;
	v2 =	vld [tilespmem:s24+$0x0]  }
.Ltmp15:
0x14d: {  	_ = 	snop;
	(pc) =	sbr.rel .LBB2_14-.Ltmp15, $1  }
0x14e: {  	_ =	sdelay $0x3  }
.LBB2_18:
0x14f: {  	_ =	sfence.sel $0x180000  }
0x150: {  	[bflag:$0x0] =	sbarrier.arrive $0xFFFF  }
0x151: {  	_ =	strace $0x90000047  }
0x152: {  	s0 =	sadd.s32 @!p1 $0x100000, s3;
	[bflag:$0x2] =	sbarrier.arrive $0xFFFF  }
0x153: {  	[sflag:s0] =	ssyncadd.tile.s32 @!p1 $0x1;
	_ =	shalt  }
.Lfunc_end2:
_tile_overlayer_lowered:
.L_overlay_start_2:
0x154: {  	(tag) =	ssettag $0x2  }
0x155: {  	s0 =	rddreg [dreg:$0x0];
	s2 =	stileid.u32  }
0x156: {  	s1 =	rddreg [dreg:$0x1];
	p0 =	sne.s32 s2, $0x0  }
0x157: {  	s3 =	rddreg [dreg:$0x2];
	[bflag:$0x3] =	sbarrier.arrive $0xFFFF;
	s2 =	simm.s32 @!p0 $0x1C01  }
0x158: {  	[timem:s3], [sflag:s2] =	dma.local @!p0 [hbm:s0], s1  }
0x159: {  	s0 =	simm.s32 @!p0 $0x1  }
0x15a: {  	_ =	swait.ge @!p0 [sflag:s0], s1  }
0x15b: {  	s1 =	ssub.s32 @!p0 $0x0, s1;
	[sflag:s0] =	ssyncset.done @!p0 $0x0  }
0x15c: {  	[sflag:s0] =	ssyncadd.s32 @!p0 s1  }
0x15d: {  	[bflag:$0x3] =	sbarrier.arrive $0xFFFF  }
0x15e: {  	_ =	shalt  }

// kernel: kernel.9.cloned.1.call-start
scs
__scs_entry_jumppad:
0x0: {  	(pc) =	sbr.rel $0x88, $3  }
0x1: {  	(tag) =	ssettag $0x0;
	lr =	simm.s32 $0x1  }
0x2: {  	[smem:$0x3F9F] =	sst lr;
	_ =	strace $0xD0000000  }
0x3: {  	_ = 	snop  }
0x4: {  	_ = 	snop  }
0x5: {  	_ = 	snop  }
0x6: {  	_ = 	snop  }
0x7: {  	_ = 	snop  }
__scs_overlays_trampoline_lowered:
0x8: {  	[smem:$0x3FAE] =	sst s0  }
0x9: {  	[smem:$0x3FAF] =	sst s1  }
0xa: {  	[smem:$0x3FB0] =	sst s2  }
0xb: {  	[smem:$0x3FB1] =	sst s3  }
0xc: {  	[smem:$0x3FB2] =	sst s4  }
0xd: {  	[smem:$0x3FB3] =	sst s5  }
0xe: {  	[smem:$0x3FB4] =	sst s6  }
0xf: {  	[smem:$0x3FB5] =	sst s7  }
0x10: {  	[smem:$0x3FB6] =	sst s8  }
0x11: {  	[smem:$0x3FB7] =	sst s9;
	s0 =	simm.s32 @!p0 $0x0  }
0x12: {  	s1 =	sld [smem:$0x3F9D];
	s0 =	simm.s32 @p0 $0x1  }
0x13: {  	[smem:$0x3FB8] =	sst s0;
	s0 =	simm.s32 @!p1 $0x0  }
0x14: {  	s2 =	sld [smem:$0x3F9C];
	s0 =	simm.s32 @p1 $0x1  }
0x15: {  	[smem:$0x3FB9] =	sst s0;
	s0 =	simm.s32 @!p2 $0x0  }
0x16: {  	s3 =	sld [smem:$0x3FDB];
	s0 =	simm.s32 @p2 $0x1  }
0x17: {  	s4 =	simm.s32 $0x1BF5;
	[smem:$0x3FBB] =	sst s0  }
0x18: {  	s0 =	sld [smem:$0x3F9E];
	_ =	swait.ge [sflag:s4], $0x0  }
0x19: {  	s7 =	sld [smem:$0x3F9F]  }
0x1a: {  	s8 =	sadd.s32 $0xFFFFE003, lr  }
0x1b: {  	s9 =	sadd.s32 $0xFFFFFEF7, lr;
	s5 =	simm.s32 $0xFFFFFFFF;
	p2 =	slt.u32 s8, $0xFFFFF086  }
0x1c: {  	p1 =	slt.u32 s9, $0xF7A;
	s5 =	simm.s32 @!p2 $0x0  }
0x1d: {  	s5 =	simm.s32 @p1 $0x1;
	p0 =	seq.s32 s7, s2  }
0x1e: {  	s7 =	smul.u32 @!p0 $0xF7A, s2;
	p2 =	seq.s32 @!p0 s5, $0x0  }
0x1f: {  	s9 =	smul.u32 $0xF7A, s1;
	s8 =	simm.s32 @!p0 $0x1BF5;
	p2 =	por !p2, p0  }
0x20: {  	[sflag:s8] =	ssyncset.s32 @!p0 $0xFFFFF086;
	s6 =	sadd.s32 @!p0 s3, s7;
	s7 =	simm.s32 @!p0 $0x108  }
0x21: {  	s3 =	sadd.s32 s3, s9;
	s6 =	sadd.s32 @!p0 $0x88, s6;
	s7 =	simm.s32 @p2 $0x1082  }
0x22: {  	[simem:s7], [sflag:s8] =	dma.local @!p0 [hbm:s6], $0xF7A  }
0x23: {  	s9 =	sor.u32 $0xD0000000, s2;
	s6 =	simm.s32 $0x108;
	_ =	swait.ge @!p0 [sflag:s8], $0x0  }
0x24: {  	s3 =	sadd.s32 $0x88, s3;
	s6 =	simm.s32 @!p1 $0x1082;
	[sflag:s4] =	ssyncset.s32 $0xFFFFF086  }
0x25: {  	[simem:s6], [sflag:s4] =	dma.local [hbm:s3], $0xF7A  }
0x26: {  	[smem:$0x3F9F] =	sst s1;
	(tag) =	ssettag s2;
	_ =	strace s9  }
0x27: {  	s1 =	sld [smem:$0x3FAF]  }
0x28: {  	s2 =	sld [smem:$0x3FB0]  }
0x29: {  	s4 =	sld [smem:$0x3FB2]  }
0x2a: {  	p0 =	seq.s32 s5, $0x0;
	s5 =	sld [smem:$0x3FB3]  }
0x2b: {  	s6 =	sld [smem:$0x3FB4]  }
0x2c: {  	s7 =	sld [smem:$0x3FB5]  }
0x2d: {  	s3 =	simm.s32 $0x108;
	s8 =	sld [smem:$0x3FB6]  }
0x2e: {  	s3 =	simm.s32 @!p0 $0x1082;
	s9 =	sld [smem:$0x3FB7]  }
0x2f: {  	lr =	sadd.s32 s0, s3;
	s0 =	sld [smem:$0x3FAE]  }
0x30: {  	s3 =	sld [smem:$0x3FB1]  }
0x31: {  	[smem:$0x3FBA] =	sst s10  }
0x32: {  	s10 =	sld [smem:$0x3FB8];
	_ =	sdelay $0x3  }
0x33: {  	p0 =	seq.s32 s10, $0x1;
	s10 =	sld [smem:$0x3FBA];
	_ =	sdelay $0x3  }
0x34: {  	[smem:$0x3FBA] =	sst s10  }
0x35: {  	s10 =	sld [smem:$0x3FB9];
	_ =	sdelay $0x3  }
0x36: {  	p1 =	seq.s32 s10, $0x1;
	s10 =	sld [smem:$0x3FBA];
	_ =	sdelay $0x3  }
0x37: {  	[smem:$0x3FBA] =	sst s10  }
0x38: {  	s10 =	sld [smem:$0x3FBB]  }
0x39: {  	_ = 	snop;
	(pc) =	sbr.ind lr, $3  }
0x3a: {  	_ = 	snop  }
0x3b: {  	_ = 	snop  }
0x3c: {  	p2 =	seq.s32 s10, $0x1;
	s10 =	sld [smem:$0x3FBA]  }
0x3d: {  	_ =	shalt  }
0x3e: {  	_ =	shalt  }
0x3f: {  	_ =	shalt  }
0x40: {  	_ =	shalt  }
0x41: {  	_ =	shalt  }
0x42: {  	_ =	shalt  }
0x43: {  	_ =	shalt  }
0x44: {  	_ =	shalt  }
0x45: {  	_ =	shalt  }
0x46: {  	_ =	shalt  }
0x47: {  	_ =	shalt  }
0x48: {  	_ =	shalt  }
0x49: {  	_ =	shalt  }
0x4a: {  	_ =	shalt  }
0x4b: {  	_ =	shalt  }
0x4c: {  	_ =	shalt  }
0x4d: {  	_ =	shalt  }
0x4e: {  	_ =	shalt  }
0x4f: {  	_ =	shalt  }
0x50: {  	_ =	shalt  }
0x51: {  	_ =	shalt  }
0x52: {  	_ =	shalt  }
0x53: {  	_ =	shalt  }
0x54: {  	_ =	shalt  }
0x55: {  	_ =	shalt  }
0x56: {  	_ =	shalt  }
0x57: {  	_ =	shalt  }
0x58: {  	_ =	shalt  }
0x59: {  	_ =	shalt  }
0x5a: {  	_ =	shalt  }
0x5b: {  	_ =	shalt  }
0x5c: {  	_ =	shalt  }
0x5d: {  	_ =	shalt  }
0x5e: {  	_ =	shalt  }
0x5f: {  	_ =	shalt  }
0x60: {  	_ =	shalt  }
0x61: {  	_ =	shalt  }
0x62: {  	_ =	shalt  }
0x63: {  	_ =	shalt  }
0x64: {  	_ =	shalt  }
0x65: {  	_ =	shalt  }
0x66: {  	_ =	shalt  }
0x67: {  	_ =	shalt  }
0x68: {  	_ =	shalt  }
0x69: {  	_ =	shalt  }
0x6a: {  	_ =	shalt  }
0x6b: {  	_ =	shalt  }
0x6c: {  	_ =	shalt  }
0x6d: {  	_ =	shalt  }
0x6e: {  	_ =	shalt  }
0x6f: {  	_ =	shalt  }
0x70: {  	_ =	shalt  }
0x71: {  	_ =	shalt  }
0x72: {  	_ =	shalt  }
0x73: {  	_ =	shalt  }
0x74: {  	_ =	shalt  }
0x75: {  	_ =	shalt  }
0x76: {  	_ =	shalt  }
0x77: {  	_ =	shalt  }
0x78: {  	_ =	shalt  }
0x79: {  	_ =	shalt  }
0x7a: {  	_ =	shalt  }
0x7b: {  	_ =	shalt  }
0x7c: {  	_ =	shalt  }
0x7d: {  	_ =	shalt  }
0x7e: {  	_ =	shalt  }
0x7f: {  	_ =	shalt  }
0x80: {  	_ =	shalt  }
0x81: {  	_ =	shalt  }
0x82: {  	_ =	shalt  }
0x83: {  	_ =	shalt  }
0x84: {  	_ =	shalt  }
0x85: {  	_ =	shalt  }
0x86: {  	_ =	shalt  }
0x87: {  	_ =	shalt  }
.Lfunc_end0:
.L_simem_size_0:
called_computation.1_lowered:
.L_overlay_start_0:
0x88: {  	s2 =	sld [smem:$0x3FD9]  }
0x89: {  	s3 =	sld [smem:$0x3FFE];
	_ =	sdelay $0x1  }
0x8a: {  	s1 =	srdreg.scid  }
0x8b: {  	s0 =	sand.u32 $0x1, s1  }
0x8c: {  	s16 =	sshll.u32 s0, $0xA;
	s2 =	sadd.s32 s3, s2  }
0x8d: {  	s2 =	sadd.s32 s2, s16  }
0x8e: {  	[smem:$0x3FC6] =	sst s2  }
0x8f: {  	_ = 	snop  }
0x90: {  	(tm) =	ssettm $0x1  }
0x91: {  	s17 =	sld [smem:$0x3FFB];
	_ =	sdelay $0x3  }
0x92: {  	_ =	strace s17  }
0x93: {  	s2 =	sld [smem:$0x3FFC];
	_ =	sdelay $0x3  }
0x94: {  	_ =	strace s2  }
0x95: {  	s2 =	sld [smem:$0x3FFD];
	_ =	sdelay $0x3  }
0x96: {  	_ =	strace s2  }
0x97: {  	_ =	strace $0x8FFFFFFF  }
0x98: {  	s18 =	sld [smem:$0x3FDB];
	_ =	sdelay $0x1  }
0x99: {  	s19 =	simm.s32 $_scs_section_size  }
0x9a: {  	s4 =	simm.s32 $_size__tile_overlayer_lowered;
	s5 =	simm.s32 $_tile_overlayer_lowered  }
0x9b: {  	s22 =	simm.s32 $0x1BFF;
	s21 =	sshll.u32 s5, $0x1;
	s2 =	sadd.s32 s19, s18  }
0x9c: {  	s6 =	simm.s32 $0x0;
	s20 =	sshll.u32 s4, $0x1;
	s4 =	sadd.s32 s21, s2  }
0x9d: {  	[timem:s6], [sflag:s22] =	dma.local [hbm:s4], s20  }
0x9e: {  	_ =	swait.ge [sflag:s22], s20  }
0x9f: {  	s3 =	ssub.s32 $0x0, s20;
	[sflag:s22] =	ssyncset.done $0x0  }
0xa0: {  	[sflag:s22] =	ssyncadd.s32 s3;
	_ =	sdelay $0x1  }
0xa1: {  	s23 =	simm.s32 $0x1B8B  }
0xa2: {  	_ =	swait.ge [sflag:s23], $0x1  }
0xa3: {  	[sflag:s23] =	ssyncset.done $0x0  }
0xa4: {  	s25 =	simm.s32 $0x1B8E;
	s24 =	sld [smem:$0x3FFE];
	[sflag:s23] =	ssyncadd.s32 $0xFFFFFFFF  }
0xa5: {  	s26 =	simm.s32 $execute0_lowered;
	[smem:$0x3FD2] =	sst s25  }
0xa6: {  	s4 =	sshll.u32 s26, $0x1;
	_ =	strace $0x80000049;
	[dreg:$0x1] =	wrdreg $0xFFFFFFFF  }
0xa7: {  	s28 =	simm.s32 $_size_execute0_lowered;
	s2 =	sadd.s32 s2, s4;
	[dreg:$0x0] =	wrdreg $0x0  }
0xa8: {  	s4 =	sshll.u32 s28, $0x1;
	[dreg:$0x2] =	wrdreg s2  }
0xa9: {  	[dreg:$0x3] =	wrdreg s4  }
0xaa: {  	[dreg:$0x4] =	wrdreg $0xC0  }
0xab: {  	_ =	task [dreg:s6], $0x5FFFF  }
0xac: {  	[dreg:$0x1] =	wrdreg $0xFFFFFFFF  }
0xad: {  	[dreg:$0x0] =	wrdreg $0x60  }
0xae: {  	[dreg:$0x2] =	wrdreg s24  }
0xaf: {  	[dreg:$0x3] =	wrdreg $0x9  }
0xb0: {  	_ =	task.clear_ibuf [dreg:s6], $0x4FFFF;
	_ =	strace $0x90000049  }
0xb1: {  	s29 =	simm.s32 $0x9;
	_ =	strace $0x8000004B  }
0xb2: {  	_ =	swait.ge [sflag:s29], $0x1  }
0xb3: {  	[sflag:s29] =	ssyncadd.s32 $0xFFFFFFFF  }
0xb4: {  	_ =	strace $0x9000004B  }
0xb5: {  	_ =	sfence  }
0xb6: {  	s30 =	sld [smem:$0x0];
	_ =	sdelay $0x2  }
0xb7: {  	s31 =	sshll.u32 s1, $0xD;
	s1 =	sshrl.u32 s1, $0x2  }
0xb8: {  	s3 =	sand.u32 $0x4000, s31;
	s1 =	sadd.s32 s1, s30  }
0xb9: {  	s0 =	sor.u32 s3, s0;
	s1 =	sshll.u32 s1, $0x11  }
0xba: {  	s0 =	sor.u32 s1, s0  }
0xbb: {  	s0 =	sadd.s32 $0x8F2B, s0  }
0xbc: {  	[sflag:s0] =	ssyncadd.remote.s32 $0x1  }
0xbd: {  	_ =	sfence.sel $0xFFFF  }
0xbe: {  	[dreg:$0x0] =	wrdreg $0xFFFFFFFF;
	(pc) =	sbr.abs _section_cstart, $3  }
0xbf: {  	[dreg:$0x1] =	wrdreg $0xFFFFFFFF  }
0xc0: {  	_ =	task.clear_ibuf [dreg:s6], $0x2FFFF;
	_ =	strace $0x9FFFFFFF  }
0xc1: {  	(tm) =	ssettm $0x7FFFFFFF  }
tec
execute0_lowered:
.L_overlay_start_1:
0x0: {  	(tag) =	ssettag $0x1  }
0x1: {  	s1 =	srdreg.scid  }
0x2: {  	s0 =	stileid.u32;
	s9 =	rddreg [dreg:$0x0];
	s6 =	sand.u32 $0x1, s1  }
0x3: {  	s7 =	simm.s32 $0x80;
	s2 =	sshll.u32 s0, $0x6;
	s1 =	sshll.u32 s6, $0xA  }
0x4: {  	s8 =	simm.s32 $0x1;
	s5 =	sadd.s32 $0x18EA00, s9;
	s10 =	sor.u32 s2, s1  }
0x5: {  	s1 =	rddreg [dreg:$0x1];
	s2 =	simm.s32 $0x0;
	s3 =	sshrl.u32 s10, $0x3  }
0x6: {  	s11 =	ssub.s32 $0x2, s6;
	[smem:$0x7FF] =	sst s2;
	s3 =	sadd.s32 s3, s9  }
0x7: {  	_ =	strace $0x8000004A;
	s4 =	sadd.s32 $0x7E00, s3;
	s3 =	simm.s32 $0x2  }
0x8: {  	[tilespmem:s2], [sflag:$0x2] =	stream.linear.gather [hbm4b:s4+s2], $0x40, $0x38;
	[tilespmem:$0x2080] =	vst v63  }
0x9: {  	s6 =	simm.s32 $0x40;
	s12 =	sshrl.u32 s11, $0x1;
	_ =	swait.ge [sflag:s3], $0x40  }
0xa: {  	s10 =	sshll.u32 s10, $0x4;
	s31 =	ssub.s32 s11, s12;
	[sflag:s3] =	ssyncset.done $0x0  }
0xb: {  	s9 =	sadd.s32 s10, s9;
	s10 =	smax.u32 s31, $0x1;
	[sflag:s3] =	ssyncadd.s32 $0xFFFFFFC0  }
0xc: {  	[tilespmem:s7], [sflag:$0x1] =	stream.indirect.gather [hbm4b:s5+s6], $0x80, s2, s6, $0xb8;
	[tilespmem:$0x2080] =	vst v63  }
0xd: {  	p0 =	sne.s32 s10, $0x1;
	_ =	swait.ge [sflag:s8], $0x2000  }
.Ltmp0:
0xe: {  	[sflag:s8] =	ssyncset.done $0x0;
	(pc) =	sbr.rel @!p0 .LBB2_2-.Ltmp0, $4  }
0xf: {  	s9 =	sadd.s32 $0x8000, s9;
	[sflag:s8] =	ssyncadd.s32 $0xFFFFE000  }
0x10: {  	[hbm4b:s9+s2] =	stream.linear.scatter [tilespmem:s7], [sflag:$0x2], $0x2000, $0x38;
	[tilespmem:$0x2080] =	vst v63  }
0x11: {  	_ =	swait.ge [sflag:s3], $0x2000  }
0x12: {  	s10 =	sadd.s32 $0xFFFFFFFF, s10;
	[sflag:s3] =	ssyncset.done $0x0  }
.LBB2_1:
0x13: {  	p0 =	sne.s32 s10, $0x1;
	s10 =	sadd.s32 $0xFFFFFFFF, s10;
	[sflag:s3] =	ssyncadd.s32 $0xFFFFE000  }
0x14: {  	[tilespmem:s2], [sflag:$0x2] =	stream.linear.gather [hbm4b:s4+s2], $0x40, $0x38;
	[tilespmem:$0x2080] =	vst v63  }
0x15: {  	_ =	swait.ge [sflag:s3], $0x40  }
0x16: {  	[sflag:s3] =	ssyncset.done $0x0  }
0x17: {  	[sflag:s3] =	ssyncadd.s32 $0xFFFFFFC0  }
0x18: {  	[tilespmem:s7], [sflag:$0x1] =	stream.indirect.gather [hbm4b:s5+s6], $0x80, s2, s6, $0xb8;
	[tilespmem:$0x2080] =	vst v63  }
0x19: {  	_ =	swait.ge [sflag:s8], $0x2000  }
.Ltmp1:
0x1a: {  	[sflag:s8] =	ssyncset.done $0x0;
	(pc) =	sbr.rel @p0 .LBB2_1-.Ltmp1, $4  }
0x1b: {  	[sflag:s8] =	ssyncadd.s32 $0xFFFFE000  }
0x1c: {  	[hbm4b:s9+s2] =	stream.linear.scatter [tilespmem:s7], [sflag:$0x2], $0x2000, $0x38;
	[tilespmem:$0x2080] =	vst v63  }
0x1d: {  	_ =	swait.ge [sflag:s3], $0x2000  }
0x1e: {  	[sflag:s3] =	ssyncset.done $0x0  }
.LBB2_2:
0x1f: {  	[sflag:s3] =	ssyncadd.s32 $0xFFFFE000  }
0x20: {  	_ =	sfence.sel $0x180000  }
0x21: {  	[bflag:$0x0] =	sbarrier.arrive $0xFFFF  }
0x22: {  	p0 =	sne.s32 s0, $0x0;
	_ =	strace $0x9000004A  }
0x23: {  	s0 =	sadd.s32 @!p0 $0x100000, s1;
	[bflag:$0x2] =	sbarrier.arrive $0xFFFF  }
0x24: {  	[sflag:s0] =	ssyncadd.tile.s32 @!p0 $0x1;
	_ =	shalt  }
.Lfunc_end2:
_tile_overlayer_lowered:
.L_overlay_start_2:
0x25: {  	(tag) =	ssettag $0x2  }
0x26: {  	s0 =	rddreg [dreg:$0x0];
	s2 =	stileid.u32  }
0x27: {  	s1 =	rddreg [dreg:$0x1];
	p0 =	sne.s32 s2, $0x0  }
0x28: {  	s3 =	rddreg [dreg:$0x2];
	[bflag:$0x3] =	sbarrier.arrive $0xFFFF;
	s2 =	simm.s32 @!p0 $0x1C02  }
0x29: {  	[timem:s3], [sflag:s2] =	dma.local @!p0 [hbm:s0], s1  }
0x2a: {  	s0 =	simm.s32 @!p0 $0x2  }
0x2b: {  	_ =	swait.ge @!p0 [sflag:s0], s1  }
0x2c: {  	s1 =	ssub.s32 @!p0 $0x0, s1;
	[sflag:s0] =	ssyncset.done @!p0 $0x0  }
0x2d: {  	[sflag:s0] =	ssyncadd.s32 @!p0 s1  }
0x2e: {  	[bflag:$0x3] =	sbarrier.arrive $0xFFFF  }
0x2f: {  	_ =	shalt  }

</sc_bundles>
